<compile_context>
chip_gen: v7x
topology: tpu7x:2x2x1
jax: 0.10.2.dev20260603
libtpu: 0.0.44.dev20260713+nightly
codegen_flags: <defaults>
</compile_context>

<pallas_src>
import jax
import jax.numpy as jnp
from jax import lax
from jax.experimental import pallas as pl
from jax.experimental.pallas import tpu as pltpu
from jax.experimental.pallas import tpu_sc as plsc

NUM_EMBEDDINGS = 4096
FEATURES = 2048
OFFSET = 2

NC = 2
NS = 16
NW = NC * NS

B = 4 * 4096
B_PER_W = B // NW
CHUNK = 8
NCHUNK = B_PER_W // CHUNK
NBUF = 7
NGROUP = NCHUNK // NBUF
NREM = NCHUNK - NGROUP * NBUF


def _emb_kernel(table_hbm, idx_hbm, out_hbm, idx_v, rows_v, in_sem, out_sem):
    wid = lax.axis_index("s") * NC + lax.axis_index("c")
    base = wid * B_PER_W

    pltpu.sync_copy(idx_hbm.at[pl.ds(base, B_PER_W)], idx_v)

    def _add_off(i, carry):
        sl = pl.ds(i * 16, 16)
        idx_v[sl] = idx_v[sl] + OFFSET
        return carry

    lax.fori_loop(0, B_PER_W // 16, _add_off, 0, unroll=4)

    def _gather(c, b):
        return pltpu.make_async_copy(
            table_hbm.at[idx_v.at[pl.ds(c * CHUNK, CHUNK)]],
            rows_v.at[b], in_sem.at[b],
        )

    def _out(c, b):
        return pltpu.make_async_copy(
            rows_v.at[b], out_hbm.at[pl.ds(base + c * CHUNK, CHUNK)],
            out_sem.at[b],
        )

    for b in range(NBUF):
        _gather(b, b).start()

    def _group(g, carry):
        c0 = g * NBUF
        for b in range(NBUF):
            c = c0 + b
            _gather(c, b).wait()
            _out(c, b).start()
        for b in range(NBUF):
            c = c0 + b

            @pl.when(c + NBUF < NCHUNK)
            def _refill():
                _out(c, b).wait()
                _gather(c + NBUF, b).start()

        return carry

    lax.fori_loop(0, NGROUP, _group, 0)

    for r in range(NREM):
        c = NGROUP * NBUF + r
        _gather(c, c % NBUF).wait()
        _out(c, c % NBUF).start()

    for c in range(NCHUNK - NBUF, NCHUNK):
        _out(c, c % NBUF).wait()


@jax.jit
def kernel(inputs, kernel):
    idx_flat = inputs.reshape(-1).astype(jnp.int32)
    call = pl.kernel(
        _emb_kernel,
        out_type=jax.ShapeDtypeStruct((B, FEATURES), jnp.float32),
        mesh=plsc.VectorSubcoreMesh(
            core_axis_name="c", subcore_axis_name="s",
            num_cores=NC, num_subcores=NS,
        ),
        scratch_types=[
            pltpu.VMEM((B_PER_W,), jnp.int32),
            pltpu.VMEM((NBUF, CHUNK, FEATURES), jnp.float32),
            pltpu.SemaphoreType.DMA((NBUF,)),
            pltpu.SemaphoreType.DMA((NBUF,)),
        ],
    )
    out = call(kernel, idx_flat)
    return out.reshape(inputs.shape + (FEATURES,))

# --- scband reference (transcript-rebuilt; emitter-appended) ---
"""Pipeline reference for scband-optlearned-positional-embedding-56702158242084 (READ-ONLY COPY).

The authoritative reference and input builder live on the scoring server;
editing this copy changes nothing except your own understanding.
"""

import jax, jax.numpy as jnp
import numpy as np

NUM_EMBEDDINGS = 4096
FEATURES = 2048
OFFSET = 2

def setup_inputs(seed: int = 0) -> dict:
    key = jax.random.key(seed)
    k_idx, k_kernel = jax.random.split(key)
    inputs = jax.random.randint(k_idx, (4, 4096), 0, NUM_EMBEDDINGS, dtype=jnp.int64 if jax.config.jax_enable_x64 else jnp.int32)
    # variance_scaling fan_in normal init: stddev = sqrt(scale / fan_in)
    fan_in = NUM_EMBEDDINGS + OFFSET
    stddev = np.sqrt(1.0 / fan_in)
    kernel = jax.random.normal(k_kernel, (NUM_EMBEDDINGS + OFFSET, FEATURES), dtype=jnp.float32) * stddev
    return {"inputs": inputs, "kernel": kernel}

def reference(inputs, kernel):
    indices = inputs + OFFSET
    embedded = jnp.take(kernel, indices, axis=0)
    return embedded

if __name__ == "__main__":
    import jax
    _d = setup_inputs()
    print(jax.jit(kernel)(*tuple(_d.values())))

</pallas_src>

<mosaic_0001>
#map = affine_map<(d0, d1) -> (0, 0)>
#map1 = affine_map<(d0, d1) -> (0)>
module attributes {stable_mosaic.version = 14 : i64} {
  func.func @_emb_kernel(%arg0: i32, %arg1: i32, %arg2: memref<4098x2048xf32, #tpu.memory_space<hbm>>, %arg3: memref<16384xi32, #tpu.memory_space<hbm>>, %arg4: memref<16384x2048xf32, #tpu.memory_space<hbm>>, %arg5: memref<512xi32, #tpu.memory_space<vmem>>, %arg6: memref<7x8x2048xf32, #tpu.memory_space<vmem>>, %arg7: memref<7x!tpu.dma_semaphore, #tpu.memory_space<semaphore_mem>>, %arg8: memref<7x!tpu.dma_semaphore, #tpu.memory_space<semaphore_mem>>) attributes {dimension_semantics = [#tpu.dimension_semantics<core_parallel>, #tpu.dimension_semantics<subcore_parallel>], iteration_bounds = array<i64: 2, 16>, scalar_prefetch = 0 : i64, scratch_operands = 4 : i64, tpu.core_type = #tpu.core_type<sc_vector_subcore>, window_params = [{transform_indices = #map}, {transform_indices = #map1}, {transform_indices = #map}]} {
    %mul3A = arith.constant 2 : i32
    %mul3A_0 = arith.muli %arg1, %mul3A : i32
    %add3A = arith.addi %mul3A_0, %arg0 : i32
    %mul3A_1 = arith.constant 512 : i32
    %mul3A_2 = arith.muli %add3A, %mul3A_1 : i32
    "tpu.region"() ({
      %run_scoped3A = tpu.sem_alloc : memref<!tpu.dma_semaphore, #tpu.memory_space<semaphore_mem>>
      %dma_start3A_260 = tpu.memref_slice %arg3[%mul3A_2] : memref<16384xi32, #tpu.memory_space<hbm>> -> memref<512xi32, #tpu.memory_space<hbm>>
      %dma_start3A_261 = tpu.memref_slice %arg3[%mul3A_2] : memref<16384xi32, #tpu.memory_space<hbm>> -> memref<512xi32, #tpu.memory_space<hbm>>
      tpu.enqueue_dma source(%dma_start3A_261 : memref<512xi32, #tpu.memory_space<hbm>>) target(%arg5 : memref<512xi32, #tpu.memory_space<vmem>>) target_semaphore(%run_scoped3A : memref<!tpu.dma_semaphore, #tpu.memory_space<semaphore_mem>>)
      %dma_wait3A_262 = tpu.memref_slice %arg3[%mul3A_2] : memref<16384xi32, #tpu.memory_space<hbm>> -> memref<512xi32, #tpu.memory_space<hbm>>
      %dma_wait3A_263 = tpu.memref_slice %arg3[%mul3A_2] : memref<16384xi32, #tpu.memory_space<hbm>> -> memref<512xi32, #tpu.memory_space<hbm>>
      tpu.wait_dma2 semaphore(%run_scoped3A : memref<!tpu.dma_semaphore, #tpu.memory_space<semaphore_mem>>) src(%dma_wait3A_263 : memref<512xi32, #tpu.memory_space<hbm>>) dst(%arg5 : memref<512xi32, #tpu.memory_space<vmem>>)
      tpu.yield
    }) : () -> ()
    %scan3A = arith.constant 0 : i32
    %scan3A_3 = arith.constant 0 : i32
    %scan3A_4 = arith.constant 32 : i32
    %scan3A_5 = arith.addi %scan3A_3, %scan3A_4 : i32
    %scan3A_6 = arith.constant 4 : i32
    scf.for %scan3A_260 = %scan3A_3 to %scan3A_5 step %scan3A_6  : i32 {
      %mul3A_261 = arith.constant 16 : i32
      %mul3A_262 = arith.muli %scan3A_260, %mul3A_261 : i32
      %get3A = arith.index_cast %mul3A_262 : i32 to index
      %get3A_263 = tpu.vector_load %arg5[%get3A] {strides = array<i32>} : memref<512xi32, #tpu.memory_space<vmem>>, vector<16xi32>,
      %get3A_264 = vector.shape_cast %get3A_263 : vector<16xi32> to vector<16xi32>
      %add3A_265 = arith.constant 2 : i32
      %add3A_266 = vector.broadcast %add3A_265 : i32 to vector<16xi32>
      %add3A_267 = arith.addi %get3A_264, %add3A_266 : vector<16xi32>
      %swap3A = arith.index_cast %mul3A_262 : i32 to index
      %swap3A_268 = tpu.vector_load %arg5[%swap3A] {strides = array<i32>} : memref<512xi32, #tpu.memory_space<vmem>>, vector<16xi32>,
      %swap3A_269 = vector.shape_cast %swap3A_268 : vector<16xi32> to vector<16xi32>
      %swap3A_270 = vector.shape_cast %add3A_267 : vector<16xi32> to vector<16xi32>
      tpu.vector_store %arg5[%swap3A], %swap3A_270 {strides = array<i32>} : memref<512xi32, #tpu.memory_space<vmem>>, vector<16xi32>,
      %scan3A_271 = arith.constant 1 : i32
      %scan3A_272 = arith.addi %scan3A_260, %scan3A_271 : i32
      %mul3A_273 = arith.constant 16 : i32
      %mul3A_274 = arith.muli %scan3A_272, %mul3A_273 : i32
      %get3A_275 = arith.index_cast %mul3A_274 : i32 to index
      %get3A_276 = tpu.vector_load %arg5[%get3A_275] {strides = array<i32>} : memref<512xi32, #tpu.memory_space<vmem>>, vector<16xi32>,
      %get3A_277 = vector.shape_cast %get3A_276 : vector<16xi32> to vector<16xi32>
      %add3A_278 = arith.constant 2 : i32
      %add3A_279 = vector.broadcast %add3A_278 : i32 to vector<16xi32>
      %add3A_280 = arith.addi %get3A_277, %add3A_279 : vector<16xi32>
      %swap3A_281 = arith.index_cast %mul3A_274 : i32 to index
      %swap3A_282 = tpu.vector_load %arg5[%swap3A_281] {strides = array<i32>} : memref<512xi32, #tpu.memory_space<vmem>>, vector<16xi32>,
      %swap3A_283 = vector.shape_cast %swap3A_282 : vector<16xi32> to vector<16xi32>
      %swap3A_284 = vector.shape_cast %add3A_280 : vector<16xi32> to vector<16xi32>
      tpu.vector_store %arg5[%swap3A_281], %swap3A_284 {strides = array<i32>} : memref<512xi32, #tpu.memory_space<vmem>>, vector<16xi32>,
      %scan3A_285 = arith.constant 2 : i32
      %scan3A_286 = arith.addi %scan3A_260, %scan3A_285 : i32
      %mul3A_287 = arith.constant 16 : i32
      %mul3A_288 = arith.muli %scan3A_286, %mul3A_287 : i32
      %get3A_289 = arith.index_cast %mul3A_288 : i32 to index
      %get3A_290 = tpu.vector_load %arg5[%get3A_289] {strides = array<i32>} : memref<512xi32, #tpu.memory_space<vmem>>, vector<16xi32>,
      %get3A_291 = vector.shape_cast %get3A_290 : vector<16xi32> to vector<16xi32>
      %add3A_292 = arith.constant 2 : i32
      %add3A_293 = vector.broadcast %add3A_292 : i32 to vector<16xi32>
      %add3A_294 = arith.addi %get3A_291, %add3A_293 : vector<16xi32>
      %swap3A_295 = arith.index_cast %mul3A_288 : i32 to index
      %swap3A_296 = tpu.vector_load %arg5[%swap3A_295] {strides = array<i32>} : memref<512xi32, #tpu.memory_space<vmem>>, vector<16xi32>,
      %swap3A_297 = vector.shape_cast %swap3A_296 : vector<16xi32> to vector<16xi32>
      %swap3A_298 = vector.shape_cast %add3A_294 : vector<16xi32> to vector<16xi32>
      tpu.vector_store %arg5[%swap3A_295], %swap3A_298 {strides = array<i32>} : memref<512xi32, #tpu.memory_space<vmem>>, vector<16xi32>,
      %scan3A_299 = arith.constant 3 : i32
      %scan3A_300 = arith.addi %scan3A_260, %scan3A_299 : i32
      %mul3A_301 = arith.constant 16 : i32
      %mul3A_302 = arith.muli %scan3A_300, %mul3A_301 : i32
      %get3A_303 = arith.index_cast %mul3A_302 : i32 to index
      %get3A_304 = tpu.vector_load %arg5[%get3A_303] {strides = array<i32>} : memref<512xi32, #tpu.memory_space<vmem>>, vector<16xi32>,
      %get3A_305 = vector.shape_cast %get3A_304 : vector<16xi32> to vector<16xi32>
      %add3A_306 = arith.constant 2 : i32
      %add3A_307 = vector.broadcast %add3A_306 : i32 to vector<16xi32>
      %add3A_308 = arith.addi %get3A_305, %add3A_307 : vector<16xi32>
      %swap3A_309 = arith.index_cast %mul3A_302 : i32 to index
      %swap3A_310 = tpu.vector_load %arg5[%swap3A_309] {strides = array<i32>} : memref<512xi32, #tpu.memory_space<vmem>>, vector<16xi32>,
      %swap3A_311 = vector.shape_cast %swap3A_310 : vector<16xi32> to vector<16xi32>
      %swap3A_312 = vector.shape_cast %add3A_308 : vector<16xi32> to vector<16xi32>
      tpu.vector_store %arg5[%swap3A_309], %swap3A_312 {strides = array<i32>} : memref<512xi32, #tpu.memory_space<vmem>>, vector<16xi32>,
    }
    %scan3A_7 = arith.constant 32 : i32
    %dma_start3A = arith.constant 0 : i32
    %dma_start3A_8 = arith.constant 0 : i32
    %dma_start3A_9 = arith.constant 0 : i32
    %dma_start3A_10 = arith.constant 0 : i32
    %dma_start3A_11 = tpu.memref_slice %arg6[%dma_start3A, %dma_start3A_9, %dma_start3A_10] : memref<7x8x2048xf32, #tpu.memory_space<vmem>> -> memref<1x8x2048xf32, #tpu.memory_space<vmem>>
    %dma_start3A_12 = tpu.memref_squeeze %dma_start3A_11 : memref<1x8x2048xf32, #tpu.memory_space<vmem>> -> memref<8x2048xf32, #tpu.memory_space<vmem>>
    %dma_start3A_13 = arith.constant 0 : i32
    %dma_start3A_14 = tpu.memref_slice %arg5[%dma_start3A_13] : memref<512xi32, #tpu.memory_space<vmem>> -> memref<8xi32, #tpu.memory_space<vmem>>
    %dma_start3A_15 = arith.constant 0 : i32
    %dma_start3A_16 = arith.constant 0 : i32
    %dma_start3A_17 = tpu.memref_slice %arg2[%dma_start3A_15, %dma_start3A_16] : memref<4098x2048xf32, #tpu.memory_space<hbm>> -> memref<4098x2048xf32, #tpu.memory_space<hbm>>
    %dma_start3A_18 = tpu.memref_slice %arg7[%dma_start3A_8] : memref<7x!tpu.dma_semaphore, #tpu.memory_space<semaphore_mem>> -> memref<1x!tpu.dma_semaphore, #tpu.memory_space<semaphore_mem>>
    %dma_start3A_19 = tpu.memref_squeeze %dma_start3A_18 : memref<1x!tpu.dma_semaphore, #tpu.memory_space<semaphore_mem>> -> memref<!tpu.dma_semaphore, #tpu.memory_space<semaphore_mem>>
    tpu.enqueue_indirect_dma source(%dma_start3A_17 : memref<4098x2048xf32, #tpu.memory_space<hbm>>) target(%dma_start3A_12 : memref<8x2048xf32, #tpu.memory_space<vmem>>) offsets(%dma_start3A_14 : memref<8xi32, #tpu.memory_space<vmem>>) semaphore(%dma_start3A_19 : memref<!tpu.dma_semaphore, #tpu.memory_space<semaphore_mem>>)
    %dma_start3A_20 = arith.constant 1 : i32
    %dma_start3A_21 = arith.constant 1 : i32
    %dma_start3A_22 = arith.constant 0 : i32
    %dma_start3A_23 = arith.constant 0 : i32
    %dma_start3A_24 = tpu.memref_slice %arg6[%dma_start3A_20, %dma_start3A_22, %dma_start3A_23] : memref<7x8x2048xf32, #tpu.memory_space<vmem>> -> memref<1x8x2048xf32, #tpu.memory_space<vmem>>
    %dma_start3A_25 = tpu.memref_squeeze %dma_start3A_24 : memref<1x8x2048xf32, #tpu.memory_space<vmem>> -> memref<8x2048xf32, #tpu.memory_space<vmem>>
    %dma_start3A_26 = arith.constant 8 : i32
    %dma_start3A_27 = tpu.memref_slice %arg5[%dma_start3A_26] : memref<512xi32, #tpu.memory_space<vmem>> -> memref<8xi32, #tpu.memory_space<vmem>>
    %dma_start3A_28 = arith.constant 0 : i32
    %dma_start3A_29 = arith.constant 0 : i32
    %dma_start3A_30 = tpu.memref_slice %arg2[%dma_start3A_28, %dma_start3A_29] : memref<4098x2048xf32, #tpu.memory_space<hbm>> -> memref<4098x2048xf32, #tpu.memory_space<hbm>>
    %dma_start3A_31 = tpu.memref_slice %arg7[%dma_start3A_21] : memref<7x!tpu.dma_semaphore, #tpu.memory_space<semaphore_mem>> -> memref<1x!tpu.dma_semaphore, #tpu.memory_space<semaphore_mem>>
    %dma_start3A_32 = tpu.memref_squeeze %dma_start3A_31 : memref<1x!tpu.dma_semaphore, #tpu.memory_space<semaphore_mem>> -> memref<!tpu.dma_semaphore, #tpu.memory_space<semaphore_mem>>
    tpu.enqueue_indirect_dma source(%dma_start3A_30 : memref<4098x2048xf32, #tpu.memory_space<hbm>>) target(%dma_start3A_25 : memref<8x2048xf32, #tpu.memory_space<vmem>>) offsets(%dma_start3A_27 : memref<8xi32, #tpu.memory_space<vmem>>) semaphore(%dma_start3A_32 : memref<!tpu.dma_semaphore, #tpu.memory_space<semaphore_mem>>)
    %dma_start3A_33 = arith.constant 2 : i32
    %dma_start3A_34 = arith.constant 2 : i32
    %dma_start3A_35 = arith.constant 0 : i32
    %dma_start3A_36 = arith.constant 0 : i32
    %dma_start3A_37 = tpu.memref_slice %arg6[%dma_start3A_33, %dma_start3A_35, %dma_start3A_36] : memref<7x8x2048xf32, #tpu.memory_space<vmem>> -> memref<1x8x2048xf32, #tpu.memory_space<vmem>>
    %dma_start3A_38 = tpu.memref_squeeze %dma_start3A_37 : memref<1x8x2048xf32, #tpu.memory_space<vmem>> -> memref<8x2048xf32, #tpu.memory_space<vmem>>
    %dma_start3A_39 = arith.constant 16 : i32
    %dma_start3A_40 = tpu.memref_slice %arg5[%dma_start3A_39] : memref<512xi32, #tpu.memory_space<vmem>> -> memref<8xi32, #tpu.memory_space<vmem>>
    %dma_start3A_41 = arith.constant 0 : i32
    %dma_start3A_42 = arith.constant 0 : i32
    %dma_start3A_43 = tpu.memref_slice %arg2[%dma_start3A_41, %dma_start3A_42] : memref<4098x2048xf32, #tpu.memory_space<hbm>> -> memref<4098x2048xf32, #tpu.memory_space<hbm>>
    %dma_start3A_44 = tpu.memref_slice %arg7[%dma_start3A_34] : memref<7x!tpu.dma_semaphore, #tpu.memory_space<semaphore_mem>> -> memref<1x!tpu.dma_semaphore, #tpu.memory_space<semaphore_mem>>
    %dma_start3A_45 = tpu.memref_squeeze %dma_start3A_44 : memref<1x!tpu.dma_semaphore, #tpu.memory_space<semaphore_mem>> -> memref<!tpu.dma_semaphore, #tpu.memory_space<semaphore_mem>>
    tpu.enqueue_indirect_dma source(%dma_start3A_43 : memref<4098x2048xf32, #tpu.memory_space<hbm>>) target(%dma_start3A_38 : memref<8x2048xf32, #tpu.memory_space<vmem>>) offsets(%dma_start3A_40 : memref<8xi32, #tpu.memory_space<vmem>>) semaphore(%dma_start3A_45 : memref<!tpu.dma_semaphore, #tpu.memory_space<semaphore_mem>>)
    %dma_start3A_46 = arith.constant 3 : i32
    %dma_start3A_47 = arith.constant 3 : i32
    %dma_start3A_48 = arith.constant 0 : i32
    %dma_start3A_49 = arith.constant 0 : i32
    %dma_start3A_50 = tpu.memref_slice %arg6[%dma_start3A_46, %dma_start3A_48, %dma_start3A_49] : memref<7x8x2048xf32, #tpu.memory_space<vmem>> -> memref<1x8x2048xf32, #tpu.memory_space<vmem>>
    %dma_start3A_51 = tpu.memref_squeeze %dma_start3A_50 : memref<1x8x2048xf32, #tpu.memory_space<vmem>> -> memref<8x2048xf32, #tpu.memory_space<vmem>>
    %dma_start3A_52 = arith.constant 24 : i32
    %dma_start3A_53 = tpu.memref_slice %arg5[%dma_start3A_52] : memref<512xi32, #tpu.memory_space<vmem>> -> memref<8xi32, #tpu.memory_space<vmem>>
    %dma_start3A_54 = arith.constant 0 : i32
    %dma_start3A_55 = arith.constant 0 : i32
    %dma_start3A_56 = tpu.memref_slice %arg2[%dma_start3A_54, %dma_start3A_55] : memref<4098x2048xf32, #tpu.memory_space<hbm>> -> memref<4098x2048xf32, #tpu.memory_space<hbm>>
    %dma_start3A_57 = tpu.memref_slice %arg7[%dma_start3A_47] : memref<7x!tpu.dma_semaphore, #tpu.memory_space<semaphore_mem>> -> memref<1x!tpu.dma_semaphore, #tpu.memory_space<semaphore_mem>>
    %dma_start3A_58 = tpu.memref_squeeze %dma_start3A_57 : memref<1x!tpu.dma_semaphore, #tpu.memory_space<semaphore_mem>> -> memref<!tpu.dma_semaphore, #tpu.memory_space<semaphore_mem>>
    tpu.enqueue_indirect_dma source(%dma_start3A_56 : memref<4098x2048xf32, #tpu.memory_space<hbm>>) target(%dma_start3A_51 : memref<8x2048xf32, #tpu.memory_space<vmem>>) offsets(%dma_start3A_53 : memref<8xi32, #tpu.memory_space<vmem>>) semaphore(%dma_start3A_58 : memref<!tpu.dma_semaphore, #tpu.memory_space<semaphore_mem>>)
    %dma_start3A_59 = arith.constant 4 : i32
    %dma_start3A_60 = arith.constant 4 : i32
    %dma_start3A_61 = arith.constant 0 : i32
    %dma_start3A_62 = arith.constant 0 : i32
    %dma_start3A_63 = tpu.memref_slice %arg6[%dma_start3A_59, %dma_start3A_61, %dma_start3A_62] : memref<7x8x2048xf32, #tpu.memory_space<vmem>> -> memref<1x8x2048xf32, #tpu.memory_space<vmem>>
    %dma_start3A_64 = tpu.memref_squeeze %dma_start3A_63 : memref<1x8x2048xf32, #tpu.memory_space<vmem>> -> memref<8x2048xf32, #tpu.memory_space<vmem>>
    %dma_start3A_65 = arith.constant 32 : i32
    %dma_start3A_66 = tpu.memref_slice %arg5[%dma_start3A_65] : memref<512xi32, #tpu.memory_space<vmem>> -> memref<8xi32, #tpu.memory_space<vmem>>
    %dma_start3A_67 = arith.constant 0 : i32
    %dma_start3A_68 = arith.constant 0 : i32
    %dma_start3A_69 = tpu.memref_slice %arg2[%dma_start3A_67, %dma_start3A_68] : memref<4098x2048xf32, #tpu.memory_space<hbm>> -> memref<4098x2048xf32, #tpu.memory_space<hbm>>
    %dma_start3A_70 = tpu.memref_slice %arg7[%dma_start3A_60] : memref<7x!tpu.dma_semaphore, #tpu.memory_space<semaphore_mem>> -> memref<1x!tpu.dma_semaphore, #tpu.memory_space<semaphore_mem>>
    %dma_start3A_71 = tpu.memref_squeeze %dma_start3A_70 : memref<1x!tpu.dma_semaphore, #tpu.memory_space<semaphore_mem>> -> memref<!tpu.dma_semaphore, #tpu.memory_space<semaphore_mem>>
    tpu.enqueue_indirect_dma source(%dma_start3A_69 : memref<4098x2048xf32, #tpu.memory_space<hbm>>) target(%dma_start3A_64 : memref<8x2048xf32, #tpu.memory_space<vmem>>) offsets(%dma_start3A_66 : memref<8xi32, #tpu.memory_space<vmem>>) semaphore(%dma_start3A_71 : memref<!tpu.dma_semaphore, #tpu.memory_space<semaphore_mem>>)
    %dma_start3A_72 = arith.constant 5 : i32
    %dma_start3A_73 = arith.constant 5 : i32
    %dma_start3A_74 = arith.constant 0 : i32
    %dma_start3A_75 = arith.constant 0 : i32
    %dma_start3A_76 = tpu.memref_slice %arg6[%dma_start3A_72, %dma_start3A_74, %dma_start3A_75] : memref<7x8x2048xf32, #tpu.memory_space<vmem>> -> memref<1x8x2048xf32, #tpu.memory_space<vmem>>
    %dma_start3A_77 = tpu.memref_squeeze %dma_start3A_76 : memref<1x8x2048xf32, #tpu.memory_space<vmem>> -> memref<8x2048xf32, #tpu.memory_space<vmem>>
    %dma_start3A_78 = arith.constant 40 : i32
    %dma_start3A_79 = tpu.memref_slice %arg5[%dma_start3A_78] : memref<512xi32, #tpu.memory_space<vmem>> -> memref<8xi32, #tpu.memory_space<vmem>>
    %dma_start3A_80 = arith.constant 0 : i32
    %dma_start3A_81 = arith.constant 0 : i32
    %dma_start3A_82 = tpu.memref_slice %arg2[%dma_start3A_80, %dma_start3A_81] : memref<4098x2048xf32, #tpu.memory_space<hbm>> -> memref<4098x2048xf32, #tpu.memory_space<hbm>>
    %dma_start3A_83 = tpu.memref_slice %arg7[%dma_start3A_73] : memref<7x!tpu.dma_semaphore, #tpu.memory_space<semaphore_mem>> -> memref<1x!tpu.dma_semaphore, #tpu.memory_space<semaphore_mem>>
    %dma_start3A_84 = tpu.memref_squeeze %dma_start3A_83 : memref<1x!tpu.dma_semaphore, #tpu.memory_space<semaphore_mem>> -> memref<!tpu.dma_semaphore, #tpu.memory_space<semaphore_mem>>
    tpu.enqueue_indirect_dma source(%dma_start3A_82 : memref<4098x2048xf32, #tpu.memory_space<hbm>>) target(%dma_start3A_77 : memref<8x2048xf32, #tpu.memory_space<vmem>>) offsets(%dma_start3A_79 : memref<8xi32, #tpu.memory_space<vmem>>) semaphore(%dma_start3A_84 : memref<!tpu.dma_semaphore, #tpu.memory_space<semaphore_mem>>)
    %dma_start3A_85 = arith.constant 6 : i32
    %dma_start3A_86 = arith.constant 6 : i32
    %dma_start3A_87 = arith.constant 0 : i32
    %dma_start3A_88 = arith.constant 0 : i32
    %dma_start3A_89 = tpu.memref_slice %arg6[%dma_start3A_85, %dma_start3A_87, %dma_start3A_88] : memref<7x8x2048xf32, #tpu.memory_space<vmem>> -> memref<1x8x2048xf32, #tpu.memory_space<vmem>>
    %dma_start3A_90 = tpu.memref_squeeze %dma_start3A_89 : memref<1x8x2048xf32, #tpu.memory_space<vmem>> -> memref<8x2048xf32, #tpu.memory_space<vmem>>
    %dma_start3A_91 = arith.constant 48 : i32
    %dma_start3A_92 = tpu.memref_slice %arg5[%dma_start3A_91] : memref<512xi32, #tpu.memory_space<vmem>> -> memref<8xi32, #tpu.memory_space<vmem>>
    %dma_start3A_93 = arith.constant 0 : i32
    %dma_start3A_94 = arith.constant 0 : i32
    %dma_start3A_95 = tpu.memref_slice %arg2[%dma_start3A_93, %dma_start3A_94] : memref<4098x2048xf32, #tpu.memory_space<hbm>> -> memref<4098x2048xf32, #tpu.memory_space<hbm>>
    %dma_start3A_96 = tpu.memref_slice %arg7[%dma_start3A_86] : memref<7x!tpu.dma_semaphore, #tpu.memory_space<semaphore_mem>> -> memref<1x!tpu.dma_semaphore, #tpu.memory_space<semaphore_mem>>
    %dma_start3A_97 = tpu.memref_squeeze %dma_start3A_96 : memref<1x!tpu.dma_semaphore, #tpu.memory_space<semaphore_mem>> -> memref<!tpu.dma_semaphore, #tpu.memory_space<semaphore_mem>>
    tpu.enqueue_indirect_dma source(%dma_start3A_95 : memref<4098x2048xf32, #tpu.memory_space<hbm>>) target(%dma_start3A_90 : memref<8x2048xf32, #tpu.memory_space<vmem>>) offsets(%dma_start3A_92 : memref<8xi32, #tpu.memory_space<vmem>>) semaphore(%dma_start3A_97 : memref<!tpu.dma_semaphore, #tpu.memory_space<semaphore_mem>>)
    %scan3A_98 = arith.constant 0 : i32
    %scan3A_99 = arith.constant 0 : i32
    %scan3A_100 = arith.constant 9 : i32
    %scan3A_101 = arith.addi %scan3A_99, %scan3A_100 : i32
    %scan3A_102 = arith.constant 1 : i32
    scf.for %scan3A_260 = %scan3A_99 to %scan3A_101 step %scan3A_102  : i32 {
      %mul3A_261 = arith.constant 7 : i32
      %mul3A_262 = arith.muli %scan3A_260, %mul3A_261 : i32
      %add3A_263 = arith.constant 0 : i32
      %add3A_264 = arith.addi %mul3A_262, %add3A_263 : i32
      %mul3A_265 = arith.constant 8 : i32
      %mul3A_266 = arith.muli %add3A_264, %mul3A_265 : i32
      %dma_wait3A_267 = arith.constant 0 : i32
      %dma_wait3A_268 = arith.constant 0 : i32
      %dma_wait3A_269 = arith.constant 0 : i32
      %dma_wait3A_270 = arith.constant 0 : i32
      %dma_wait3A_271 = tpu.memref_slice %arg6[%dma_wait3A_267, %dma_wait3A_269, %dma_wait3A_270] : memref<7x8x2048xf32, #tpu.memory_space<vmem>> -> memref<1x8x2048xf32, #tpu.memory_space<vmem>>
      %dma_wait3A_272 = tpu.memref_squeeze %dma_wait3A_271 : memref<1x8x2048xf32, #tpu.memory_space<vmem>> -> memref<8x2048xf32, #tpu.memory_space<vmem>>
      %dma_wait3A_273 = tpu.memref_slice %arg5[%mul3A_266] : memref<512xi32, #tpu.memory_space<vmem>> -> memref<8xi32, #tpu.memory_space<vmem>>
      %dma_wait3A_274 = arith.constant 0 : i32
      %dma_wait3A_275 = arith.constant 0 : i32
      %dma_wait3A_276 = tpu.memref_slice %arg2[%dma_wait3A_274, %dma_wait3A_275] : memref<4098x2048xf32, #tpu.memory_space<hbm>> -> memref<4098x2048xf32, #tpu.memory_space<hbm>>
      %dma_wait3A_277 = tpu.memref_slice %arg7[%dma_wait3A_268] : memref<7x!tpu.dma_semaphore, #tpu.memory_space<semaphore_mem>> -> memref<1x!tpu.dma_semaphore, #tpu.memory_space<semaphore_mem>>
      %dma_wait3A_278 = tpu.memref_squeeze %dma_wait3A_277 : memref<1x!tpu.dma_semaphore, #tpu.memory_space<semaphore_mem>> -> memref<!tpu.dma_semaphore, #tpu.memory_space<semaphore_mem>>
      tpu.wait_indirect_dma semaphore(%dma_wait3A_278 : memref<!tpu.dma_semaphore, #tpu.memory_space<semaphore_mem>>) src(%dma_wait3A_276 : memref<4098x2048xf32, #tpu.memory_space<hbm>>) dst(%dma_wait3A_272 : memref<8x2048xf32, #tpu.memory_space<vmem>>)
      %mul3A_279 = arith.constant 8 : i32
      %mul3A_280 = arith.muli %add3A_264, %mul3A_279 : i32
      %add3A_281 = arith.addi %mul3A_2, %mul3A_280 : i32
      %dma_start3A_282 = arith.constant 0 : i32
      %dma_start3A_283 = arith.constant 0 : i32
      %dma_start3A_284 = arith.constant 0 : i32
      %dma_start3A_285 = arith.constant 0 : i32
      %dma_start3A_286 = tpu.memref_slice %arg6[%dma_start3A_282, %dma_start3A_284, %dma_start3A_285] : memref<7x8x2048xf32, #tpu.memory_space<vmem>> -> memref<1x8x2048xf32, #tpu.memory_space<vmem>>
      %dma_start3A_287 = tpu.memref_squeeze %dma_start3A_286 : memref<1x8x2048xf32, #tpu.memory_space<vmem>> -> memref<8x2048xf32, #tpu.memory_space<vmem>>
      %dma_start3A_288 = arith.constant 0 : i32
      %dma_start3A_289 = tpu.memref_slice %arg4[%add3A_281, %dma_start3A_288] : memref<16384x2048xf32, #tpu.memory_space<hbm>> -> memref<8x2048xf32, #tpu.memory_space<hbm>>
      %dma_start3A_290 = tpu.memref_slice %arg8[%dma_start3A_283] : memref<7x!tpu.dma_semaphore, #tpu.memory_space<semaphore_mem>> -> memref<1x!tpu.dma_semaphore, #tpu.memory_space<semaphore_mem>>
      %dma_start3A_291 = tpu.memref_squeeze %dma_start3A_290 : memref<1x!tpu.dma_semaphore, #tpu.memory_space<semaphore_mem>> -> memref<!tpu.dma_semaphore, #tpu.memory_space<semaphore_mem>>
      %dma_start3A_292 = arith.constant 0 : i32
      %dma_start3A_293 = tpu.memref_slice %arg4[%add3A_281, %dma_start3A_292] : memref<16384x2048xf32, #tpu.memory_space<hbm>> -> memref<8x2048xf32, #tpu.memory_space<hbm>>
      %dma_start3A_294 = arith.constant 0 : i32
      %dma_start3A_295 = arith.constant 0 : i32
      %dma_start3A_296 = tpu.memref_slice %arg6[%dma_start3A_282, %dma_start3A_294, %dma_start3A_295] : memref<7x8x2048xf32, #tpu.memory_space<vmem>> -> memref<1x8x2048xf32, #tpu.memory_space<vmem>>
      %dma_start3A_297 = tpu.memref_squeeze %dma_start3A_296 : memref<1x8x2048xf32, #tpu.memory_space<vmem>> -> memref<8x2048xf32, #tpu.memory_space<vmem>>
      tpu.enqueue_dma source(%dma_start3A_297 : memref<8x2048xf32, #tpu.memory_space<vmem>>) target(%dma_start3A_293 : memref<8x2048xf32, #tpu.memory_space<hbm>>) target_semaphore(%dma_start3A_291 : memref<!tpu.dma_semaphore, #tpu.memory_space<semaphore_mem>>)
      %add3A_298 = arith.constant 1 : i32
      %add3A_299 = arith.addi %mul3A_262, %add3A_298 : i32
      %mul3A_300 = arith.constant 8 : i32
      %mul3A_301 = arith.muli %add3A_299, %mul3A_300 : i32
      %dma_wait3A_302 = arith.constant 1 : i32
      %dma_wait3A_303 = arith.constant 1 : i32
      %dma_wait3A_304 = arith.constant 0 : i32
      %dma_wait3A_305 = arith.constant 0 : i32
      %dma_wait3A_306 = tpu.memref_slice %arg6[%dma_wait3A_302, %dma_wait3A_304, %dma_wait3A_305] : memref<7x8x2048xf32, #tpu.memory_space<vmem>> -> memref<1x8x2048xf32, #tpu.memory_space<vmem>>
      %dma_wait3A_307 = tpu.memref_squeeze %dma_wait3A_306 : memref<1x8x2048xf32, #tpu.memory_space<vmem>> -> memref<8x2048xf32, #tpu.memory_space<vmem>>
      %dma_wait3A_308 = tpu.memref_slice %arg5[%mul3A_301] : memref<512xi32, #tpu.memory_space<vmem>> -> memref<8xi32, #tpu.memory_space<vmem>>
      %dma_wait3A_309 = arith.constant 0 : i32
      %dma_wait3A_310 = arith.constant 0 : i32
      %dma_wait3A_311 = tpu.memref_slice %arg2[%dma_wait3A_309, %dma_wait3A_310] : memref<4098x2048xf32, #tpu.memory_space<hbm>> -> memref<4098x2048xf32, #tpu.memory_space<hbm>>
      %dma_wait3A_312 = tpu.memref_slice %arg7[%dma_wait3A_303] : memref<7x!tpu.dma_semaphore, #tpu.memory_space<semaphore_mem>> -> memref<1x!tpu.dma_semaphore, #tpu.memory_space<semaphore_mem>>
      %dma_wait3A_313 = tpu.memref_squeeze %dma_wait3A_312 : memref<1x!tpu.dma_semaphore, #tpu.memory_space<semaphore_mem>> -> memref<!tpu.dma_semaphore, #tpu.memory_space<semaphore_mem>>
      tpu.wait_indirect_dma semaphore(%dma_wait3A_313 : memref<!tpu.dma_semaphore, #tpu.memory_space<semaphore_mem>>) src(%dma_wait3A_311 : memref<4098x2048xf32, #tpu.memory_space<hbm>>) dst(%dma_wait3A_307 : memref<8x2048xf32, #tpu.memory_space<vmem>>)
      %mul3A_314 = arith.constant 8 : i32
      %mul3A_315 = arith.muli %add3A_299, %mul3A_314 : i32
      %add3A_316 = arith.addi %mul3A_2, %mul3A_315 : i32
      %dma_start3A_317 = arith.constant 1 : i32
      %dma_start3A_318 = arith.constant 1 : i32
      %dma_start3A_319 = arith.constant 0 : i32
      %dma_start3A_320 = arith.constant 0 : i32
      %dma_start3A_321 = tpu.memref_slice %arg6[%dma_start3A_317, %dma_start3A_319, %dma_start3A_320] : memref<7x8x2048xf32, #tpu.memory_space<vmem>> -> memref<1x8x2048xf32, #tpu.memory_space<vmem>>
      %dma_start3A_322 = tpu.memref_squeeze %dma_start3A_321 : memref<1x8x2048xf32, #tpu.memory_space<vmem>> -> memref<8x2048xf32, #tpu.memory_space<vmem>>
      %dma_start3A_323 = arith.constant 0 : i32
      %dma_start3A_324 = tpu.memref_slice %arg4[%add3A_316, %dma_start3A_323] : memref<16384x2048xf32, #tpu.memory_space<hbm>> -> memref<8x2048xf32, #tpu.memory_space<hbm>>
      %dma_start3A_325 = tpu.memref_slice %arg8[%dma_start3A_318] : memref<7x!tpu.dma_semaphore, #tpu.memory_space<semaphore_mem>> -> memref<1x!tpu.dma_semaphore, #tpu.memory_space<semaphore_mem>>
      %dma_start3A_326 = tpu.memref_squeeze %dma_start3A_325 : memref<1x!tpu.dma_semaphore, #tpu.memory_space<semaphore_mem>> -> memref<!tpu.dma_semaphore, #tpu.memory_space<semaphore_mem>>
      %dma_start3A_327 = arith.constant 0 : i32
      %dma_start3A_328 = tpu.memref_slice %arg4[%add3A_316, %dma_start3A_327] : memref<16384x2048xf32, #tpu.memory_space<hbm>> -> memref<8x2048xf32, #tpu.memory_space<hbm>>
      %dma_start3A_329 = arith.constant 0 : i32
      %dma_start3A_330 = arith.constant 0 : i32
      %dma_start3A_331 = tpu.memref_slice %arg6[%dma_start3A_317, %dma_start3A_329, %dma_start3A_330] : memref<7x8x2048xf32, #tpu.memory_space<vmem>> -> memref<1x8x2048xf32, #tpu.memory_space<vmem>>
      %dma_start3A_332 = tpu.memref_squeeze %dma_start3A_331 : memref<1x8x2048xf32, #tpu.memory_space<vmem>> -> memref<8x2048xf32, #tpu.memory_space<vmem>>
      tpu.enqueue_dma source(%dma_start3A_332 : memref<8x2048xf32, #tpu.memory_space<vmem>>) target(%dma_start3A_328 : memref<8x2048xf32, #tpu.memory_space<hbm>>) target_semaphore(%dma_start3A_326 : memref<!tpu.dma_semaphore, #tpu.memory_space<semaphore_mem>>)
      %add3A_333 = arith.constant 2 : i32
      %add3A_334 = arith.addi %mul3A_262, %add3A_333 : i32
      %mul3A_335 = arith.constant 8 : i32
      %mul3A_336 = arith.muli %add3A_334, %mul3A_335 : i32
      %dma_wait3A_337 = arith.constant 2 : i32
      %dma_wait3A_338 = arith.constant 2 : i32
      %dma_wait3A_339 = arith.constant 0 : i32
      %dma_wait3A_340 = arith.constant 0 : i32
      %dma_wait3A_341 = tpu.memref_slice %arg6[%dma_wait3A_337, %dma_wait3A_339, %dma_wait3A_340] : memref<7x8x2048xf32, #tpu.memory_space<vmem>> -> memref<1x8x2048xf32, #tpu.memory_space<vmem>>
      %dma_wait3A_342 = tpu.memref_squeeze %dma_wait3A_341 : memref<1x8x2048xf32, #tpu.memory_space<vmem>> -> memref<8x2048xf32, #tpu.memory_space<vmem>>
      %dma_wait3A_343 = tpu.memref_slice %arg5[%mul3A_336] : memref<512xi32, #tpu.memory_space<vmem>> -> memref<8xi32, #tpu.memory_space<vmem>>
      %dma_wait3A_344 = arith.constant 0 : i32
      %dma_wait3A_345 = arith.constant 0 : i32
      %dma_wait3A_346 = tpu.memref_slice %arg2[%dma_wait3A_344, %dma_wait3A_345] : memref<4098x2048xf32, #tpu.memory_space<hbm>> -> memref<4098x2048xf32, #tpu.memory_space<hbm>>
      %dma_wait3A_347 = tpu.memref_slice %arg7[%dma_wait3A_338] : memref<7x!tpu.dma_semaphore, #tpu.memory_space<semaphore_mem>> -> memref<1x!tpu.dma_semaphore, #tpu.memory_space<semaphore_mem>>
      %dma_wait3A_348 = tpu.memref_squeeze %dma_wait3A_347 : memref<1x!tpu.dma_semaphore, #tpu.memory_space<semaphore_mem>> -> memref<!tpu.dma_semaphore, #tpu.memory_space<semaphore_mem>>
      tpu.wait_indirect_dma semaphore(%dma_wait3A_348 : memref<!tpu.dma_semaphore, #tpu.memory_space<semaphore_mem>>) src(%dma_wait3A_346 : memref<4098x2048xf32, #tpu.memory_space<hbm>>) dst(%dma_wait3A_342 : memref<8x2048xf32, #tpu.memory_space<vmem>>)
      %mul3A_349 = arith.constant 8 : i32
      %mul3A_350 = arith.muli %add3A_334, %mul3A_349 : i32
      %add3A_351 = arith.addi %mul3A_2, %mul3A_350 : i32
      %dma_start3A_352 = arith.constant 2 : i32
      %dma_start3A_353 = arith.constant 2 : i32
      %dma_start3A_354 = arith.constant 0 : i32
      %dma_start3A_355 = arith.constant 0 : i32
      %dma_start3A_356 = tpu.memref_slice %arg6[%dma_start3A_352, %dma_start3A_354, %dma_start3A_355] : memref<7x8x2048xf32, #tpu.memory_space<vmem>> -> memref<1x8x2048xf32, #tpu.memory_space<vmem>>
      %dma_start3A_357 = tpu.memref_squeeze %dma_start3A_356 : memref<1x8x2048xf32, #tpu.memory_space<vmem>> -> memref<8x2048xf32, #tpu.memory_space<vmem>>
      %dma_start3A_358 = arith.constant 0 : i32
      %dma_start3A_359 = tpu.memref_slice %arg4[%add3A_351, %dma_start3A_358] : memref<16384x2048xf32, #tpu.memory_space<hbm>> -> memref<8x2048xf32, #tpu.memory_space<hbm>>
      %dma_start3A_360 = tpu.memref_slice %arg8[%dma_start3A_353] : memref<7x!tpu.dma_semaphore, #tpu.memory_space<semaphore_mem>> -> memref<1x!tpu.dma_semaphore, #tpu.memory_space<semaphore_mem>>
      %dma_start3A_361 = tpu.memref_squeeze %dma_start3A_360 : memref<1x!tpu.dma_semaphore, #tpu.memory_space<semaphore_mem>> -> memref<!tpu.dma_semaphore, #tpu.memory_space<semaphore_mem>>
      %dma_start3A_362 = arith.constant 0 : i32
      %dma_start3A_363 = tpu.memref_slice %arg4[%add3A_351, %dma_start3A_362] : memref<16384x2048xf32, #tpu.memory_space<hbm>> -> memref<8x2048xf32, #tpu.memory_space<hbm>>
      %dma_start3A_364 = arith.constant 0 : i32
      %dma_start3A_365 = arith.constant 0 : i32
      %dma_start3A_366 = tpu.memref_slice %arg6[%dma_start3A_352, %dma_start3A_364, %dma_start3A_365] : memref<7x8x2048xf32, #tpu.memory_space<vmem>> -> memref<1x8x2048xf32, #tpu.memory_space<vmem>>
      %dma_start3A_367 = tpu.memref_squeeze %dma_start3A_366 : memref<1x8x2048xf32, #tpu.memory_space<vmem>> -> memref<8x2048xf32, #tpu.memory_space<vmem>>
      tpu.enqueue_dma source(%dma_start3A_367 : memref<8x2048xf32, #tpu.memory_space<vmem>>) target(%dma_start3A_363 : memref<8x2048xf32, #tpu.memory_space<hbm>>) target_semaphore(%dma_start3A_361 : memref<!tpu.dma_semaphore, #tpu.memory_space<semaphore_mem>>)
      %add3A_368 = arith.constant 3 : i32
      %add3A_369 = arith.addi %mul3A_262, %add3A_368 : i32
      %mul3A_370 = arith.constant 8 : i32
      %mul3A_371 = arith.muli %add3A_369, %mul3A_370 : i32
      %dma_wait3A_372 = arith.constant 3 : i32
      %dma_wait3A_373 = arith.constant 3 : i32
      %dma_wait3A_374 = arith.constant 0 : i32
      %dma_wait3A_375 = arith.constant 0 : i32
      %dma_wait3A_376 = tpu.memref_slice %arg6[%dma_wait3A_372, %dma_wait3A_374, %dma_wait3A_375] : memref<7x8x2048xf32, #tpu.memory_space<vmem>> -> memref<1x8x2048xf32, #tpu.memory_space<vmem>>
      %dma_wait3A_377 = tpu.memref_squeeze %dma_wait3A_376 : memref<1x8x2048xf32, #tpu.memory_space<vmem>> -> memref<8x2048xf32, #tpu.memory_space<vmem>>
      %dma_wait3A_378 = tpu.memref_slice %arg5[%mul3A_371] : memref<512xi32, #tpu.memory_space<vmem>> -> memref<8xi32, #tpu.memory_space<vmem>>
      %dma_wait3A_379 = arith.constant 0 : i32
      %dma_wait3A_380 = arith.constant 0 : i32
      %dma_wait3A_381 = tpu.memref_slice %arg2[%dma_wait3A_379, %dma_wait3A_380] : memref<4098x2048xf32, #tpu.memory_space<hbm>> -> memref<4098x2048xf32, #tpu.memory_space<hbm>>
      %dma_wait3A_382 = tpu.memref_slice %arg7[%dma_wait3A_373] : memref<7x!tpu.dma_semaphore, #tpu.memory_space<semaphore_mem>> -> memref<1x!tpu.dma_semaphore, #tpu.memory_space<semaphore_mem>>
      %dma_wait3A_383 = tpu.memref_squeeze %dma_wait3A_382 : memref<1x!tpu.dma_semaphore, #tpu.memory_space<semaphore_mem>> -> memref<!tpu.dma_semaphore, #tpu.memory_space<semaphore_mem>>
      tpu.wait_indirect_dma semaphore(%dma_wait3A_383 : memref<!tpu.dma_semaphore, #tpu.memory_space<semaphore_mem>>) src(%dma_wait3A_381 : memref<4098x2048xf32, #tpu.memory_space<hbm>>) dst(%dma_wait3A_377 : memref<8x2048xf32, #tpu.memory_space<vmem>>)
      %mul3A_384 = arith.constant 8 : i32
      %mul3A_385 = arith.muli %add3A_369, %mul3A_384 : i32
      %add3A_386 = arith.addi %mul3A_2, %mul3A_385 : i32
      %dma_start3A_387 = arith.constant 3 : i32
      %dma_start3A_388 = arith.constant 3 : i32
      %dma_start3A_389 = arith.constant 0 : i32
      %dma_start3A_390 = arith.constant 0 : i32
      %dma_start3A_391 = tpu.memref_slice %arg6[%dma_start3A_387, %dma_start3A_389, %dma_start3A_390] : memref<7x8x2048xf32, #tpu.memory_space<vmem>> -> memref<1x8x2048xf32, #tpu.memory_space<vmem>>
      %dma_start3A_392 = tpu.memref_squeeze %dma_start3A_391 : memref<1x8x2048xf32, #tpu.memory_space<vmem>> -> memref<8x2048xf32, #tpu.memory_space<vmem>>
      %dma_start3A_393 = arith.constant 0 : i32
      %dma_start3A_394 = tpu.memref_slice %arg4[%add3A_386, %dma_start3A_393] : memref<16384x2048xf32, #tpu.memory_space<hbm>> -> memref<8x2048xf32, #tpu.memory_space<hbm>>
      %dma_start3A_395 = tpu.memref_slice %arg8[%dma_start3A_388] : memref<7x!tpu.dma_semaphore, #tpu.memory_space<semaphore_mem>> -> memref<1x!tpu.dma_semaphore, #tpu.memory_space<semaphore_mem>>
      %dma_start3A_396 = tpu.memref_squeeze %dma_start3A_395 : memref<1x!tpu.dma_semaphore, #tpu.memory_space<semaphore_mem>> -> memref<!tpu.dma_semaphore, #tpu.memory_space<semaphore_mem>>
      %dma_start3A_397 = arith.constant 0 : i32
      %dma_start3A_398 = tpu.memref_slice %arg4[%add3A_386, %dma_start3A_397] : memref<16384x2048xf32, #tpu.memory_space<hbm>> -> memref<8x2048xf32, #tpu.memory_space<hbm>>
      %dma_start3A_399 = arith.constant 0 : i32
      %dma_start3A_400 = arith.constant 0 : i32
      %dma_start3A_401 = tpu.memref_slice %arg6[%dma_start3A_387, %dma_start3A_399, %dma_start3A_400] : memref<7x8x2048xf32, #tpu.memory_space<vmem>> -> memref<1x8x2048xf32, #tpu.memory_space<vmem>>
      %dma_start3A_402 = tpu.memref_squeeze %dma_start3A_401 : memref<1x8x2048xf32, #tpu.memory_space<vmem>> -> memref<8x2048xf32, #tpu.memory_space<vmem>>
      tpu.enqueue_dma source(%dma_start3A_402 : memref<8x2048xf32, #tpu.memory_space<vmem>>) target(%dma_start3A_398 : memref<8x2048xf32, #tpu.memory_space<hbm>>) target_semaphore(%dma_start3A_396 : memref<!tpu.dma_semaphore, #tpu.memory_space<semaphore_mem>>)
      %add3A_403 = arith.constant 4 : i32
      %add3A_404 = arith.addi %mul3A_262, %add3A_403 : i32
      %mul3A_405 = arith.constant 8 : i32
      %mul3A_406 = arith.muli %add3A_404, %mul3A_405 : i32
      %dma_wait3A_407 = arith.constant 4 : i32
      %dma_wait3A_408 = arith.constant 4 : i32
      %dma_wait3A_409 = arith.constant 0 : i32
      %dma_wait3A_410 = arith.constant 0 : i32
      %dma_wait3A_411 = tpu.memref_slice %arg6[%dma_wait3A_407, %dma_wait3A_409, %dma_wait3A_410] : memref<7x8x2048xf32, #tpu.memory_space<vmem>> -> memref<1x8x2048xf32, #tpu.memory_space<vmem>>
      %dma_wait3A_412 = tpu.memref_squeeze %dma_wait3A_411 : memref<1x8x2048xf32, #tpu.memory_space<vmem>> -> memref<8x2048xf32, #tpu.memory_space<vmem>>
      %dma_wait3A_413 = tpu.memref_slice %arg5[%mul3A_406] : memref<512xi32, #tpu.memory_space<vmem>> -> memref<8xi32, #tpu.memory_space<vmem>>
      %dma_wait3A_414 = arith.constant 0 : i32
      %dma_wait3A_415 = arith.constant 0 : i32
      %dma_wait3A_416 = tpu.memref_slice %arg2[%dma_wait3A_414, %dma_wait3A_415] : memref<4098x2048xf32, #tpu.memory_space<hbm>> -> memref<4098x2048xf32, #tpu.memory_space<hbm>>
      %dma_wait3A_417 = tpu.memref_slice %arg7[%dma_wait3A_408] : memref<7x!tpu.dma_semaphore, #tpu.memory_space<semaphore_mem>> -> memref<1x!tpu.dma_semaphore, #tpu.memory_space<semaphore_mem>>
      %dma_wait3A_418 = tpu.memref_squeeze %dma_wait3A_417 : memref<1x!tpu.dma_semaphore, #tpu.memory_space<semaphore_mem>> -> memref<!tpu.dma_semaphore, #tpu.memory_space<semaphore_mem>>
      tpu.wait_indirect_dma semaphore(%dma_wait3A_418 : memref<!tpu.dma_semaphore, #tpu.memory_space<semaphore_mem>>) src(%dma_wait3A_416 : memref<4098x2048xf32, #tpu.memory_space<hbm>>) dst(%dma_wait3A_412 : memref<8x2048xf32, #tpu.memory_space<vmem>>)
      %mul3A_419 = arith.constant 8 : i32
      %mul3A_420 = arith.muli %add3A_404, %mul3A_419 : i32
      %add3A_421 = arith.addi %mul3A_2, %mul3A_420 : i32
      %dma_start3A_422 = arith.constant 4 : i32
      %dma_start3A_423 = arith.constant 4 : i32
      %dma_start3A_424 = arith.constant 0 : i32
      %dma_start3A_425 = arith.constant 0 : i32
      %dma_start3A_426 = tpu.memref_slice %arg6[%dma_start3A_422, %dma_start3A_424, %dma_start3A_425] : memref<7x8x2048xf32, #tpu.memory_space<vmem>> -> memref<1x8x2048xf32, #tpu.memory_space<vmem>>
      %dma_start3A_427 = tpu.memref_squeeze %dma_start3A_426 : memref<1x8x2048xf32, #tpu.memory_space<vmem>> -> memref<8x2048xf32, #tpu.memory_space<vmem>>
      %dma_start3A_428 = arith.constant 0 : i32
      %dma_start3A_429 = tpu.memref_slice %arg4[%add3A_421, %dma_start3A_428] : memref<16384x2048xf32, #tpu.memory_space<hbm>> -> memref<8x2048xf32, #tpu.memory_space<hbm>>
      %dma_start3A_430 = tpu.memref_slice %arg8[%dma_start3A_423] : memref<7x!tpu.dma_semaphore, #tpu.memory_space<semaphore_mem>> -> memref<1x!tpu.dma_semaphore, #tpu.memory_space<semaphore_mem>>
      %dma_start3A_431 = tpu.memref_squeeze %dma_start3A_430 : memref<1x!tpu.dma_semaphore, #tpu.memory_space<semaphore_mem>> -> memref<!tpu.dma_semaphore, #tpu.memory_space<semaphore_mem>>
      %dma_start3A_432 = arith.constant 0 : i32
      %dma_start3A_433 = tpu.memref_slice %arg4[%add3A_421, %dma_start3A_432] : memref<16384x2048xf32, #tpu.memory_space<hbm>> -> memref<8x2048xf32, #tpu.memory_space<hbm>>
      %dma_start3A_434 = arith.constant 0 : i32
      %dma_start3A_435 = arith.constant 0 : i32
      %dma_start3A_436 = tpu.memref_slice %arg6[%dma_start3A_422, %dma_start3A_434, %dma_start3A_435] : memref<7x8x2048xf32, #tpu.memory_space<vmem>> -> memref<1x8x2048xf32, #tpu.memory_space<vmem>>
      %dma_start3A_437 = tpu.memref_squeeze %dma_start3A_436 : memref<1x8x2048xf32, #tpu.memory_space<vmem>> -> memref<8x2048xf32, #tpu.memory_space<vmem>>
      tpu.enqueue_dma source(%dma_start3A_437 : memref<8x2048xf32, #tpu.memory_space<vmem>>) target(%dma_start3A_433 : memref<8x2048xf32, #tpu.memory_space<hbm>>) target_semaphore(%dma_start3A_431 : memref<!tpu.dma_semaphore, #tpu.memory_space<semaphore_mem>>)
      %add3A_438 = arith.constant 5 : i32
      %add3A_439 = arith.addi %mul3A_262, %add3A_438 : i32
      %mul3A_440 = arith.constant 8 : i32
      %mul3A_441 = arith.muli %add3A_439, %mul3A_440 : i32
      %dma_wait3A_442 = arith.constant 5 : i32
      %dma_wait3A_443 = arith.constant 5 : i32
      %dma_wait3A_444 = arith.constant 0 : i32
      %dma_wait3A_445 = arith.constant 0 : i32
      %dma_wait3A_446 = tpu.memref_slice %arg6[%dma_wait3A_442, %dma_wait3A_444, %dma_wait3A_445] : memref<7x8x2048xf32, #tpu.memory_space<vmem>> -> memref<1x8x2048xf32, #tpu.memory_space<vmem>>
      %dma_wait3A_447 = tpu.memref_squeeze %dma_wait3A_446 : memref<1x8x2048xf32, #tpu.memory_space<vmem>> -> memref<8x2048xf32, #tpu.memory_space<vmem>>
      %dma_wait3A_448 = tpu.memref_slice %arg5[%mul3A_441] : memref<512xi32, #tpu.memory_space<vmem>> -> memref<8xi32, #tpu.memory_space<vmem>>
      %dma_wait3A_449 = arith.constant 0 : i32
      %dma_wait3A_450 = arith.constant 0 : i32
      %dma_wait3A_451 = tpu.memref_slice %arg2[%dma_wait3A_449, %dma_wait3A_450] : memref<4098x2048xf32, #tpu.memory_space<hbm>> -> memref<4098x2048xf32, #tpu.memory_space<hbm>>
      %dma_wait3A_452 = tpu.memref_slice %arg7[%dma_wait3A_443] : memref<7x!tpu.dma_semaphore, #tpu.memory_space<semaphore_mem>> -> memref<1x!tpu.dma_semaphore, #tpu.memory_space<semaphore_mem>>
      %dma_wait3A_453 = tpu.memref_squeeze %dma_wait3A_452 : memref<1x!tpu.dma_semaphore, #tpu.memory_space<semaphore_mem>> -> memref<!tpu.dma_semaphore, #tpu.memory_space<semaphore_mem>>
      tpu.wait_indirect_dma semaphore(%dma_wait3A_453 : memref<!tpu.dma_semaphore, #tpu.memory_space<semaphore_mem>>) src(%dma_wait3A_451 : memref<4098x2048xf32, #tpu.memory_space<hbm>>) dst(%dma_wait3A_447 : memref<8x2048xf32, #tpu.memory_space<vmem>>)
      %mul3A_454 = arith.constant 8 : i32
      %mul3A_455 = arith.muli %add3A_439, %mul3A_454 : i32
      %add3A_456 = arith.addi %mul3A_2, %mul3A_455 : i32
      %dma_start3A_457 = arith.constant 5 : i32
      %dma_start3A_458 = arith.constant 5 : i32
      %dma_start3A_459 = arith.constant 0 : i32
      %dma_start3A_460 = arith.constant 0 : i32
      %dma_start3A_461 = tpu.memref_slice %arg6[%dma_start3A_457, %dma_start3A_459, %dma_start3A_460] : memref<7x8x2048xf32, #tpu.memory_space<vmem>> -> memref<1x8x2048xf32, #tpu.memory_space<vmem>>
      %dma_start3A_462 = tpu.memref_squeeze %dma_start3A_461 : memref<1x8x2048xf32, #tpu.memory_space<vmem>> -> memref<8x2048xf32, #tpu.memory_space<vmem>>
      %dma_start3A_463 = arith.constant 0 : i32
      %dma_start3A_464 = tpu.memref_slice %arg4[%add3A_456, %dma_start3A_463] : memref<16384x2048xf32, #tpu.memory_space<hbm>> -> memref<8x2048xf32, #tpu.memory_space<hbm>>
      %dma_start3A_465 = tpu.memref_slice %arg8[%dma_start3A_458] : memref<7x!tpu.dma_semaphore, #tpu.memory_space<semaphore_mem>> -> memref<1x!tpu.dma_semaphore, #tpu.memory_space<semaphore_mem>>
      %dma_start3A_466 = tpu.memref_squeeze %dma_start3A_465 : memref<1x!tpu.dma_semaphore, #tpu.memory_space<semaphore_mem>> -> memref<!tpu.dma_semaphore, #tpu.memory_space<semaphore_mem>>
      %dma_start3A_467 = arith.constant 0 : i32
      %dma_start3A_468 = tpu.memref_slice %arg4[%add3A_456, %dma_start3A_467] : memref<16384x2048xf32, #tpu.memory_space<hbm>> -> memref<8x2048xf32, #tpu.memory_space<hbm>>
      %dma_start3A_469 = arith.constant 0 : i32
      %dma_start3A_470 = arith.constant 0 : i32
      %dma_start3A_471 = tpu.memref_slice %arg6[%dma_start3A_457, %dma_start3A_469, %dma_start3A_470] : memref<7x8x2048xf32, #tpu.memory_space<vmem>> -> memref<1x8x2048xf32, #tpu.memory_space<vmem>>
      %dma_start3A_472 = tpu.memref_squeeze %dma_start3A_471 : memref<1x8x2048xf32, #tpu.memory_space<vmem>> -> memref<8x2048xf32, #tpu.memory_space<vmem>>
      tpu.enqueue_dma source(%dma_start3A_472 : memref<8x2048xf32, #tpu.memory_space<vmem>>) target(%dma_start3A_468 : memref<8x2048xf32, #tpu.memory_space<hbm>>) target_semaphore(%dma_start3A_466 : memref<!tpu.dma_semaphore, #tpu.memory_space<semaphore_mem>>)
      %add3A_473 = arith.constant 6 : i32
      %add3A_474 = arith.addi %mul3A_262, %add3A_473 : i32
      %mul3A_475 = arith.constant 8 : i32
      %mul3A_476 = arith.muli %add3A_474, %mul3A_475 : i32
      %dma_wait3A_477 = arith.constant 6 : i32
      %dma_wait3A_478 = arith.constant 6 : i32
      %dma_wait3A_479 = arith.constant 0 : i32
      %dma_wait3A_480 = arith.constant 0 : i32
      %dma_wait3A_481 = tpu.memref_slice %arg6[%dma_wait3A_477, %dma_wait3A_479, %dma_wait3A_480] : memref<7x8x2048xf32, #tpu.memory_space<vmem>> -> memref<1x8x2048xf32, #tpu.memory_space<vmem>>
      %dma_wait3A_482 = tpu.memref_squeeze %dma_wait3A_481 : memref<1x8x2048xf32, #tpu.memory_space<vmem>> -> memref<8x2048xf32, #tpu.memory_space<vmem>>
      %dma_wait3A_483 = tpu.memref_slice %arg5[%mul3A_476] : memref<512xi32, #tpu.memory_space<vmem>> -> memref<8xi32, #tpu.memory_space<vmem>>
      %dma_wait3A_484 = arith.constant 0 : i32
      %dma_wait3A_485 = arith.constant 0 : i32
      %dma_wait3A_486 = tpu.memref_slice %arg2[%dma_wait3A_484, %dma_wait3A_485] : memref<4098x2048xf32, #tpu.memory_space<hbm>> -> memref<4098x2048xf32, #tpu.memory_space<hbm>>
      %dma_wait3A_487 = tpu.memref_slice %arg7[%dma_wait3A_478] : memref<7x!tpu.dma_semaphore, #tpu.memory_space<semaphore_mem>> -> memref<1x!tpu.dma_semaphore, #tpu.memory_space<semaphore_mem>>
      %dma_wait3A_488 = tpu.memref_squeeze %dma_wait3A_487 : memref<1x!tpu.dma_semaphore, #tpu.memory_space<semaphore_mem>> -> memref<!tpu.dma_semaphore, #tpu.memory_space<semaphore_mem>>
      tpu.wait_indirect_dma semaphore(%dma_wait3A_488 : memref<!tpu.dma_semaphore, #tpu.memory_space<semaphore_mem>>) src(%dma_wait3A_486 : memref<4098x2048xf32, #tpu.memory_space<hbm>>) dst(%dma_wait3A_482 : memref<8x2048xf32, #tpu.memory_space<vmem>>)
      %mul3A_489 = arith.constant 8 : i32
      %mul3A_490 = arith.muli %add3A_474, %mul3A_489 : i32
      %add3A_491 = arith.addi %mul3A_2, %mul3A_490 : i32
      %dma_start3A_492 = arith.constant 6 : i32
      %dma_start3A_493 = arith.constant 6 : i32
      %dma_start3A_494 = arith.constant 0 : i32
      %dma_start3A_495 = arith.constant 0 : i32
      %dma_start3A_496 = tpu.memref_slice %arg6[%dma_start3A_492, %dma_start3A_494, %dma_start3A_495] : memref<7x8x2048xf32, #tpu.memory_space<vmem>> -> memref<1x8x2048xf32, #tpu.memory_space<vmem>>
      %dma_start3A_497 = tpu.memref_squeeze %dma_start3A_496 : memref<1x8x2048xf32, #tpu.memory_space<vmem>> -> memref<8x2048xf32, #tpu.memory_space<vmem>>
      %dma_start3A_498 = arith.constant 0 : i32
      %dma_start3A_499 = tpu.memref_slice %arg4[%add3A_491, %dma_start3A_498] : memref<16384x2048xf32, #tpu.memory_space<hbm>> -> memref<8x2048xf32, #tpu.memory_space<hbm>>
      %dma_start3A_500 = tpu.memref_slice %arg8[%dma_start3A_493] : memref<7x!tpu.dma_semaphore, #tpu.memory_space<semaphore_mem>> -> memref<1x!tpu.dma_semaphore, #tpu.memory_space<semaphore_mem>>
      %dma_start3A_501 = tpu.memref_squeeze %dma_start3A_500 : memref<1x!tpu.dma_semaphore, #tpu.memory_space<semaphore_mem>> -> memref<!tpu.dma_semaphore, #tpu.memory_space<semaphore_mem>>
      %dma_start3A_502 = arith.constant 0 : i32
      %dma_start3A_503 = tpu.memref_slice %arg4[%add3A_491, %dma_start3A_502] : memref<16384x2048xf32, #tpu.memory_space<hbm>> -> memref<8x2048xf32, #tpu.memory_space<hbm>>
      %dma_start3A_504 = arith.constant 0 : i32
      %dma_start3A_505 = arith.constant 0 : i32
      %dma_start3A_506 = tpu.memref_slice %arg6[%dma_start3A_492, %dma_start3A_504, %dma_start3A_505] : memref<7x8x2048xf32, #tpu.memory_space<vmem>> -> memref<1x8x2048xf32, #tpu.memory_space<vmem>>
      %dma_start3A_507 = tpu.memref_squeeze %dma_start3A_506 : memref<1x8x2048xf32, #tpu.memory_space<vmem>> -> memref<8x2048xf32, #tpu.memory_space<vmem>>
      tpu.enqueue_dma source(%dma_start3A_507 : memref<8x2048xf32, #tpu.memory_space<vmem>>) target(%dma_start3A_503 : memref<8x2048xf32, #tpu.memory_space<hbm>>) target_semaphore(%dma_start3A_501 : memref<!tpu.dma_semaphore, #tpu.memory_space<semaphore_mem>>)
      %add3A_508 = arith.constant 0 : i32
      %add3A_509 = arith.addi %mul3A_262, %add3A_508 : i32
      %add3A_510 = arith.constant 7 : i32
      %add3A_511 = arith.addi %add3A_509, %add3A_510 : i32
      %lt3A = arith.constant 64 : i32
      %lt3A_512 = arith.cmpi slt, %add3A_511, %lt3A : i32
      %convert_element_type3A = arith.extui %lt3A_512 : i1 to i32
      %cond3A = arith.constant 0 : i32
      %cond3A_513 = arith.cmpi ne, %convert_element_type3A, %cond3A : i32
      scf.if %cond3A_513 {
        %mul3A_568 = arith.constant 8 : i32
        %mul3A_569 = arith.muli %add3A_509, %mul3A_568 : i32
        %add3A_570 = arith.addi %mul3A_2, %mul3A_569 : i32
        %dma_wait3A_571 = arith.constant 0 : i32
        %dma_wait3A_572 = arith.constant 0 : i32
        %dma_wait3A_573 = arith.constant 0 : i32
        %dma_wait3A_574 = arith.constant 0 : i32
        %dma_wait3A_575 = tpu.memref_slice %arg6[%dma_wait3A_571, %dma_wait3A_573, %dma_wait3A_574] : memref<7x8x2048xf32, #tpu.memory_space<vmem>> -> memref<1x8x2048xf32, #tpu.memory_space<vmem>>
        %dma_wait3A_576 = tpu.memref_squeeze %dma_wait3A_575 : memref<1x8x2048xf32, #tpu.memory_space<vmem>> -> memref<8x2048xf32, #tpu.memory_space<vmem>>
        %dma_wait3A_577 = arith.constant 0 : i32
        %dma_wait3A_578 = tpu.memref_slice %arg4[%add3A_570, %dma_wait3A_577] : memref<16384x2048xf32, #tpu.memory_space<hbm>> -> memref<8x2048xf32, #tpu.memory_space<hbm>>
        %dma_wait3A_579 = tpu.memref_slice %arg8[%dma_wait3A_572] : memref<7x!tpu.dma_semaphore, #tpu.memory_space<semaphore_mem>> -> memref<1x!tpu.dma_semaphore, #tpu.memory_space<semaphore_mem>>
        %dma_wait3A_580 = tpu.memref_squeeze %dma_wait3A_579 : memref<1x!tpu.dma_semaphore, #tpu.memory_space<semaphore_mem>> -> memref<!tpu.dma_semaphore, #tpu.memory_space<semaphore_mem>>
        %dma_wait3A_581 = arith.constant 0 : i32
        %dma_wait3A_582 = tpu.memref_slice %arg4[%add3A_570, %dma_wait3A_581] : memref<16384x2048xf32, #tpu.memory_space<hbm>> -> memref<8x2048xf32, #tpu.memory_space<hbm>>
        %dma_wait3A_583 = arith.constant 0 : i32
        %dma_wait3A_584 = arith.constant 0 : i32
        %dma_wait3A_585 = tpu.memref_slice %arg6[%dma_wait3A_571, %dma_wait3A_583, %dma_wait3A_584] : memref<7x8x2048xf32, #tpu.memory_space<vmem>> -> memref<1x8x2048xf32, #tpu.memory_space<vmem>>
        %dma_wait3A_586 = tpu.memref_squeeze %dma_wait3A_585 : memref<1x8x2048xf32, #tpu.memory_space<vmem>> -> memref<8x2048xf32, #tpu.memory_space<vmem>>
        tpu.wait_dma2 semaphore(%dma_wait3A_580 : memref<!tpu.dma_semaphore, #tpu.memory_space<semaphore_mem>>) src(%dma_wait3A_586 : memref<8x2048xf32, #tpu.memory_space<vmem>>) dst(%dma_wait3A_582 : memref<8x2048xf32, #tpu.memory_space<hbm>>)
        %add3A_587 = arith.constant 7 : i32
        %add3A_588 = arith.addi %add3A_509, %add3A_587 : i32
        %mul3A_589 = arith.constant 8 : i32
        %mul3A_590 = arith.muli %add3A_588, %mul3A_589 : i32
        %dma_start3A_591 = arith.constant 0 : i32
        %dma_start3A_592 = arith.constant 0 : i32
        %dma_start3A_593 = arith.constant 0 : i32
        %dma_start3A_594 = arith.constant 0 : i32
        %dma_start3A_595 = tpu.memref_slice %arg6[%dma_start3A_591, %dma_start3A_593, %dma_start3A_594] : memref<7x8x2048xf32, #tpu.memory_space<vmem>> -> memref<1x8x2048xf32, #tpu.memory_space<vmem>>
        %dma_start3A_596 = tpu.memref_squeeze %dma_start3A_595 : memref<1x8x2048xf32, #tpu.memory_space<vmem>> -> memref<8x2048xf32, #tpu.memory_space<vmem>>
        %dma_start3A_597 = tpu.memref_slice %arg5[%mul3A_590] : memref<512xi32, #tpu.memory_space<vmem>> -> memref<8xi32, #tpu.memory_space<vmem>>
        %dma_start3A_598 = arith.constant 0 : i32
        %dma_start3A_599 = arith.constant 0 : i32
        %dma_start3A_600 = tpu.memref_slice %arg2[%dma_start3A_598, %dma_start3A_599] : memref<4098x2048xf32, #tpu.memory_space<hbm>> -> memref<4098x2048xf32, #tpu.memory_space<hbm>>
        %dma_start3A_601 = tpu.memref_slice %arg7[%dma_start3A_592] : memref<7x!tpu.dma_semaphore, #tpu.memory_space<semaphore_mem>> -> memref<1x!tpu.dma_semaphore, #tpu.memory_space<semaphore_mem>>
        %dma_start3A_602 = tpu.memref_squeeze %dma_start3A_601 : memref<1x!tpu.dma_semaphore, #tpu.memory_space<semaphore_mem>> -> memref<!tpu.dma_semaphore, #tpu.memory_space<semaphore_mem>>
        tpu.enqueue_indirect_dma source(%dma_start3A_600 : memref<4098x2048xf32, #tpu.memory_space<hbm>>) target(%dma_start3A_596 : memref<8x2048xf32, #tpu.memory_space<vmem>>) offsets(%dma_start3A_597 : memref<8xi32, #tpu.memory_space<vmem>>) semaphore(%dma_start3A_602 : memref<!tpu.dma_semaphore, #tpu.memory_space<semaphore_mem>>)
      } else {
      }
      %add3A_514 = arith.constant 1 : i32
      %add3A_515 = arith.addi %mul3A_262, %add3A_514 : i32
      %add3A_516 = arith.constant 7 : i32
      %add3A_517 = arith.addi %add3A_515, %add3A_516 : i32
      %lt3A_518 = arith.constant 64 : i32
      %lt3A_519 = arith.cmpi slt, %add3A_517, %lt3A_518 : i32
      %convert_element_type3A_520 = arith.extui %lt3A_519 : i1 to i32
      %cond3A_521 = arith.constant 0 : i32
      %cond3A_522 = arith.cmpi ne, %convert_element_type3A_520, %cond3A_521 : i32
      scf.if %cond3A_522 {
        %mul3A_568 = arith.constant 8 : i32
        %mul3A_569 = arith.muli %add3A_515, %mul3A_568 : i32
        %add3A_570 = arith.addi %mul3A_2, %mul3A_569 : i32
        %dma_wait3A_571 = arith.constant 1 : i32
        %dma_wait3A_572 = arith.constant 1 : i32
        %dma_wait3A_573 = arith.constant 0 : i32
        %dma_wait3A_574 = arith.constant 0 : i32
        %dma_wait3A_575 = tpu.memref_slice %arg6[%dma_wait3A_571, %dma_wait3A_573, %dma_wait3A_574] : memref<7x8x2048xf32, #tpu.memory_space<vmem>> -> memref<1x8x2048xf32, #tpu.memory_space<vmem>>
        %dma_wait3A_576 = tpu.memref_squeeze %dma_wait3A_575 : memref<1x8x2048xf32, #tpu.memory_space<vmem>> -> memref<8x2048xf32, #tpu.memory_space<vmem>>
        %dma_wait3A_577 = arith.constant 0 : i32
        %dma_wait3A_578 = tpu.memref_slice %arg4[%add3A_570, %dma_wait3A_577] : memref<16384x2048xf32, #tpu.memory_space<hbm>> -> memref<8x2048xf32, #tpu.memory_space<hbm>>
        %dma_wait3A_579 = tpu.memref_slice %arg8[%dma_wait3A_572] : memref<7x!tpu.dma_semaphore, #tpu.memory_space<semaphore_mem>> -> memref<1x!tpu.dma_semaphore, #tpu.memory_space<semaphore_mem>>
        %dma_wait3A_580 = tpu.memref_squeeze %dma_wait3A_579 : memref<1x!tpu.dma_semaphore, #tpu.memory_space<semaphore_mem>> -> memref<!tpu.dma_semaphore, #tpu.memory_space<semaphore_mem>>
        %dma_wait3A_581 = arith.constant 0 : i32
        %dma_wait3A_582 = tpu.memref_slice %arg4[%add3A_570, %dma_wait3A_581] : memref<16384x2048xf32, #tpu.memory_space<hbm>> -> memref<8x2048xf32, #tpu.memory_space<hbm>>
        %dma_wait3A_583 = arith.constant 0 : i32
        %dma_wait3A_584 = arith.constant 0 : i32
        %dma_wait3A_585 = tpu.memref_slice %arg6[%dma_wait3A_571, %dma_wait3A_583, %dma_wait3A_584] : memref<7x8x2048xf32, #tpu.memory_space<vmem>> -> memref<1x8x2048xf32, #tpu.memory_space<vmem>>
        %dma_wait3A_586 = tpu.memref_squeeze %dma_wait3A_585 : memref<1x8x2048xf32, #tpu.memory_space<vmem>> -> memref<8x2048xf32, #tpu.memory_space<vmem>>
        tpu.wait_dma2 semaphore(%dma_wait3A_580 : memref<!tpu.dma_semaphore, #tpu.memory_space<semaphore_mem>>) src(%dma_wait3A_586 : memref<8x2048xf32, #tpu.memory_space<vmem>>) dst(%dma_wait3A_582 : memref<8x2048xf32, #tpu.memory_space<hbm>>)
        %add3A_587 = arith.constant 7 : i32
        %add3A_588 = arith.addi %add3A_515, %add3A_587 : i32
        %mul3A_589 = arith.constant 8 : i32
        %mul3A_590 = arith.muli %add3A_588, %mul3A_589 : i32
        %dma_start3A_591 = arith.constant 1 : i32
        %dma_start3A_592 = arith.constant 1 : i32
        %dma_start3A_593 = arith.constant 0 : i32
        %dma_start3A_594 = arith.constant 0 : i32
        %dma_start3A_595 = tpu.memref_slice %arg6[%dma_start3A_591, %dma_start3A_593, %dma_start3A_594] : memref<7x8x2048xf32, #tpu.memory_space<vmem>> -> memref<1x8x2048xf32, #tpu.memory_space<vmem>>
        %dma_start3A_596 = tpu.memref_squeeze %dma_start3A_595 : memref<1x8x2048xf32, #tpu.memory_space<vmem>> -> memref<8x2048xf32, #tpu.memory_space<vmem>>
        %dma_start3A_597 = tpu.memref_slice %arg5[%mul3A_590] : memref<512xi32, #tpu.memory_space<vmem>> -> memref<8xi32, #tpu.memory_space<vmem>>
        %dma_start3A_598 = arith.constant 0 : i32
        %dma_start3A_599 = arith.constant 0 : i32
        %dma_start3A_600 = tpu.memref_slice %arg2[%dma_start3A_598, %dma_start3A_599] : memref<4098x2048xf32, #tpu.memory_space<hbm>> -> memref<4098x2048xf32, #tpu.memory_space<hbm>>
        %dma_start3A_601 = tpu.memref_slice %arg7[%dma_start3A_592] : memref<7x!tpu.dma_semaphore, #tpu.memory_space<semaphore_mem>> -> memref<1x!tpu.dma_semaphore, #tpu.memory_space<semaphore_mem>>
        %dma_start3A_602 = tpu.memref_squeeze %dma_start3A_601 : memref<1x!tpu.dma_semaphore, #tpu.memory_space<semaphore_mem>> -> memref<!tpu.dma_semaphore, #tpu.memory_space<semaphore_mem>>
        tpu.enqueue_indirect_dma source(%dma_start3A_600 : memref<4098x2048xf32, #tpu.memory_space<hbm>>) target(%dma_start3A_596 : memref<8x2048xf32, #tpu.memory_space<vmem>>) offsets(%dma_start3A_597 : memref<8xi32, #tpu.memory_space<vmem>>) semaphore(%dma_start3A_602 : memref<!tpu.dma_semaphore, #tpu.memory_space<semaphore_mem>>)
      } else {
      }
      %add3A_523 = arith.constant 2 : i32
      %add3A_524 = arith.addi %mul3A_262, %add3A_523 : i32
      %add3A_525 = arith.constant 7 : i32
      %add3A_526 = arith.addi %add3A_524, %add3A_525 : i32
      %lt3A_527 = arith.constant 64 : i32
      %lt3A_528 = arith.cmpi slt, %add3A_526, %lt3A_527 : i32
      %convert_element_type3A_529 = arith.extui %lt3A_528 : i1 to i32
      %cond3A_530 = arith.constant 0 : i32
      %cond3A_531 = arith.cmpi ne, %convert_element_type3A_529, %cond3A_530 : i32
      scf.if %cond3A_531 {
        %mul3A_568 = arith.constant 8 : i32
        %mul3A_569 = arith.muli %add3A_524, %mul3A_568 : i32
        %add3A_570 = arith.addi %mul3A_2, %mul3A_569 : i32
        %dma_wait3A_571 = arith.constant 2 : i32
        %dma_wait3A_572 = arith.constant 2 : i32
        %dma_wait3A_573 = arith.constant 0 : i32
        %dma_wait3A_574 = arith.constant 0 : i32
        %dma_wait3A_575 = tpu.memref_slice %arg6[%dma_wait3A_571, %dma_wait3A_573, %dma_wait3A_574] : memref<7x8x2048xf32, #tpu.memory_space<vmem>> -> memref<1x8x2048xf32, #tpu.memory_space<vmem>>
        %dma_wait3A_576 = tpu.memref_squeeze %dma_wait3A_575 : memref<1x8x2048xf32, #tpu.memory_space<vmem>> -> memref<8x2048xf32, #tpu.memory_space<vmem>>
        %dma_wait3A_577 = arith.constant 0 : i32
        %dma_wait3A_578 = tpu.memref_slice %arg4[%add3A_570, %dma_wait3A_577] : memref<16384x2048xf32, #tpu.memory_space<hbm>> -> memref<8x2048xf32, #tpu.memory_space<hbm>>
        %dma_wait3A_579 = tpu.memref_slice %arg8[%dma_wait3A_572] : memref<7x!tpu.dma_semaphore, #tpu.memory_space<semaphore_mem>> -> memref<1x!tpu.dma_semaphore, #tpu.memory_space<semaphore_mem>>
        %dma_wait3A_580 = tpu.memref_squeeze %dma_wait3A_579 : memref<1x!tpu.dma_semaphore, #tpu.memory_space<semaphore_mem>> -> memref<!tpu.dma_semaphore, #tpu.memory_space<semaphore_mem>>
        %dma_wait3A_581 = arith.constant 0 : i32
        %dma_wait3A_582 = tpu.memref_slice %arg4[%add3A_570, %dma_wait3A_581] : memref<16384x2048xf32, #tpu.memory_space<hbm>> -> memref<8x2048xf32, #tpu.memory_space<hbm>>
        %dma_wait3A_583 = arith.constant 0 : i32
        %dma_wait3A_584 = arith.constant 0 : i32
        %dma_wait3A_585 = tpu.memref_slice %arg6[%dma_wait3A_571, %dma_wait3A_583, %dma_wait3A_584] : memref<7x8x2048xf32, #tpu.memory_space<vmem>> -> memref<1x8x2048xf32, #tpu.memory_space<vmem>>
        %dma_wait3A_586 = tpu.memref_squeeze %dma_wait3A_585 : memref<1x8x2048xf32, #tpu.memory_space<vmem>> -> memref<8x2048xf32, #tpu.memory_space<vmem>>
        tpu.wait_dma2 semaphore(%dma_wait3A_580 : memref<!tpu.dma_semaphore, #tpu.memory_space<semaphore_mem>>) src(%dma_wait3A_586 : memref<8x2048xf32, #tpu.memory_space<vmem>>) dst(%dma_wait3A_582 : memref<8x2048xf32, #tpu.memory_space<hbm>>)
        %add3A_587 = arith.constant 7 : i32
        %add3A_588 = arith.addi %add3A_524, %add3A_587 : i32
        %mul3A_589 = arith.constant 8 : i32
        %mul3A_590 = arith.muli %add3A_588, %mul3A_589 : i32
        %dma_start3A_591 = arith.constant 2 : i32
        %dma_start3A_592 = arith.constant 2 : i32
        %dma_start3A_593 = arith.constant 0 : i32
        %dma_start3A_594 = arith.constant 0 : i32
        %dma_start3A_595 = tpu.memref_slice %arg6[%dma_start3A_591, %dma_start3A_593, %dma_start3A_594] : memref<7x8x2048xf32, #tpu.memory_space<vmem>> -> memref<1x8x2048xf32, #tpu.memory_space<vmem>>
        %dma_start3A_596 = tpu.memref_squeeze %dma_start3A_595 : memref<1x8x2048xf32, #tpu.memory_space<vmem>> -> memref<8x2048xf32, #tpu.memory_space<vmem>>
        %dma_start3A_597 = tpu.memref_slice %arg5[%mul3A_590] : memref<512xi32, #tpu.memory_space<vmem>> -> memref<8xi32, #tpu.memory_space<vmem>>
        %dma_start3A_598 = arith.constant 0 : i32
        %dma_start3A_599 = arith.constant 0 : i32
        %dma_start3A_600 = tpu.memref_slice %arg2[%dma_start3A_598, %dma_start3A_599] : memref<4098x2048xf32, #tpu.memory_space<hbm>> -> memref<4098x2048xf32, #tpu.memory_space<hbm>>
        %dma_start3A_601 = tpu.memref_slice %arg7[%dma_start3A_592] : memref<7x!tpu.dma_semaphore, #tpu.memory_space<semaphore_mem>> -> memref<1x!tpu.dma_semaphore, #tpu.memory_space<semaphore_mem>>
        %dma_start3A_602 = tpu.memref_squeeze %dma_start3A_601 : memref<1x!tpu.dma_semaphore, #tpu.memory_space<semaphore_mem>> -> memref<!tpu.dma_semaphore, #tpu.memory_space<semaphore_mem>>
        tpu.enqueue_indirect_dma source(%dma_start3A_600 : memref<4098x2048xf32, #tpu.memory_space<hbm>>) target(%dma_start3A_596 : memref<8x2048xf32, #tpu.memory_space<vmem>>) offsets(%dma_start3A_597 : memref<8xi32, #tpu.memory_space<vmem>>) semaphore(%dma_start3A_602 : memref<!tpu.dma_semaphore, #tpu.memory_space<semaphore_mem>>)
      } else {
      }
      %add3A_532 = arith.constant 3 : i32
      %add3A_533 = arith.addi %mul3A_262, %add3A_532 : i32
      %add3A_534 = arith.constant 7 : i32
      %add3A_535 = arith.addi %add3A_533, %add3A_534 : i32
      %lt3A_536 = arith.constant 64 : i32
      %lt3A_537 = arith.cmpi slt, %add3A_535, %lt3A_536 : i32
      %convert_element_type3A_538 = arith.extui %lt3A_537 : i1 to i32
      %cond3A_539 = arith.constant 0 : i32
      %cond3A_540 = arith.cmpi ne, %convert_element_type3A_538, %cond3A_539 : i32
      scf.if %cond3A_540 {
        %mul3A_568 = arith.constant 8 : i32
        %mul3A_569 = arith.muli %add3A_533, %mul3A_568 : i32
        %add3A_570 = arith.addi %mul3A_2, %mul3A_569 : i32
        %dma_wait3A_571 = arith.constant 3 : i32
        %dma_wait3A_572 = arith.constant 3 : i32
        %dma_wait3A_573 = arith.constant 0 : i32
        %dma_wait3A_574 = arith.constant 0 : i32
        %dma_wait3A_575 = tpu.memref_slice %arg6[%dma_wait3A_571, %dma_wait3A_573, %dma_wait3A_574] : memref<7x8x2048xf32, #tpu.memory_space<vmem>> -> memref<1x8x2048xf32, #tpu.memory_space<vmem>>
        %dma_wait3A_576 = tpu.memref_squeeze %dma_wait3A_575 : memref<1x8x2048xf32, #tpu.memory_space<vmem>> -> memref<8x2048xf32, #tpu.memory_space<vmem>>
        %dma_wait3A_577 = arith.constant 0 : i32
        %dma_wait3A_578 = tpu.memref_slice %arg4[%add3A_570, %dma_wait3A_577] : memref<16384x2048xf32, #tpu.memory_space<hbm>> -> memref<8x2048xf32, #tpu.memory_space<hbm>>
        %dma_wait3A_579 = tpu.memref_slice %arg8[%dma_wait3A_572] : memref<7x!tpu.dma_semaphore, #tpu.memory_space<semaphore_mem>> -> memref<1x!tpu.dma_semaphore, #tpu.memory_space<semaphore_mem>>
        %dma_wait3A_580 = tpu.memref_squeeze %dma_wait3A_579 : memref<1x!tpu.dma_semaphore, #tpu.memory_space<semaphore_mem>> -> memref<!tpu.dma_semaphore, #tpu.memory_space<semaphore_mem>>
        %dma_wait3A_581 = arith.constant 0 : i32
        %dma_wait3A_582 = tpu.memref_slice %arg4[%add3A_570, %dma_wait3A_581] : memref<16384x2048xf32, #tpu.memory_space<hbm>> -> memref<8x2048xf32, #tpu.memory_space<hbm>>
        %dma_wait3A_583 = arith.constant 0 : i32
        %dma_wait3A_584 = arith.constant 0 : i32
        %dma_wait3A_585 = tpu.memref_slice %arg6[%dma_wait3A_571, %dma_wait3A_583, %dma_wait3A_584] : memref<7x8x2048xf32, #tpu.memory_space<vmem>> -> memref<1x8x2048xf32, #tpu.memory_space<vmem>>
        %dma_wait3A_586 = tpu.memref_squeeze %dma_wait3A_585 : memref<1x8x2048xf32, #tpu.memory_space<vmem>> -> memref<8x2048xf32, #tpu.memory_space<vmem>>
        tpu.wait_dma2 semaphore(%dma_wait3A_580 : memref<!tpu.dma_semaphore, #tpu.memory_space<semaphore_mem>>) src(%dma_wait3A_586 : memref<8x2048xf32, #tpu.memory_space<vmem>>) dst(%dma_wait3A_582 : memref<8x2048xf32, #tpu.memory_space<hbm>>)
        %add3A_587 = arith.constant 7 : i32
        %add3A_588 = arith.addi %add3A_533, %add3A_587 : i32
        %mul3A_589 = arith.constant 8 : i32
        %mul3A_590 = arith.muli %add3A_588, %mul3A_589 : i32
        %dma_start3A_591 = arith.constant 3 : i32
        %dma_start3A_592 = arith.constant 3 : i32
        %dma_start3A_593 = arith.constant 0 : i32
        %dma_start3A_594 = arith.constant 0 : i32
        %dma_start3A_595 = tpu.memref_slice %arg6[%dma_start3A_591, %dma_start3A_593, %dma_start3A_594] : memref<7x8x2048xf32, #tpu.memory_space<vmem>> -> memref<1x8x2048xf32, #tpu.memory_space<vmem>>
        %dma_start3A_596 = tpu.memref_squeeze %dma_start3A_595 : memref<1x8x2048xf32, #tpu.memory_space<vmem>> -> memref<8x2048xf32, #tpu.memory_space<vmem>>
        %dma_start3A_597 = tpu.memref_slice %arg5[%mul3A_590] : memref<512xi32, #tpu.memory_space<vmem>> -> memref<8xi32, #tpu.memory_space<vmem>>
        %dma_start3A_598 = arith.constant 0 : i32
        %dma_start3A_599 = arith.constant 0 : i32
        %dma_start3A_600 = tpu.memref_slice %arg2[%dma_start3A_598, %dma_start3A_599] : memref<4098x2048xf32, #tpu.memory_space<hbm>> -> memref<4098x2048xf32, #tpu.memory_space<hbm>>
        %dma_start3A_601 = tpu.memref_slice %arg7[%dma_start3A_592] : memref<7x!tpu.dma_semaphore, #tpu.memory_space<semaphore_mem>> -> memref<1x!tpu.dma_semaphore, #tpu.memory_space<semaphore_mem>>
        %dma_start3A_602 = tpu.memref_squeeze %dma_start3A_601 : memref<1x!tpu.dma_semaphore, #tpu.memory_space<semaphore_mem>> -> memref<!tpu.dma_semaphore, #tpu.memory_space<semaphore_mem>>
        tpu.enqueue_indirect_dma source(%dma_start3A_600 : memref<4098x2048xf32, #tpu.memory_space<hbm>>) target(%dma_start3A_596 : memref<8x2048xf32, #tpu.memory_space<vmem>>) offsets(%dma_start3A_597 : memref<8xi32, #tpu.memory_space<vmem>>) semaphore(%dma_start3A_602 : memref<!tpu.dma_semaphore, #tpu.memory_space<semaphore_mem>>)
      } else {
      }
      %add3A_541 = arith.constant 4 : i32
      %add3A_542 = arith.addi %mul3A_262, %add3A_541 : i32
      %add3A_543 = arith.constant 7 : i32
      %add3A_544 = arith.addi %add3A_542, %add3A_543 : i32
      %lt3A_545 = arith.constant 64 : i32
      %lt3A_546 = arith.cmpi slt, %add3A_544, %lt3A_545 : i32
      %convert_element_type3A_547 = arith.extui %lt3A_546 : i1 to i32
      %cond3A_548 = arith.constant 0 : i32
      %cond3A_549 = arith.cmpi ne, %convert_element_type3A_547, %cond3A_548 : i32
      scf.if %cond3A_549 {
        %mul3A_568 = arith.constant 8 : i32
        %mul3A_569 = arith.muli %add3A_542, %mul3A_568 : i32
        %add3A_570 = arith.addi %mul3A_2, %mul3A_569 : i32
        %dma_wait3A_571 = arith.constant 4 : i32
        %dma_wait3A_572 = arith.constant 4 : i32
        %dma_wait3A_573 = arith.constant 0 : i32
        %dma_wait3A_574 = arith.constant 0 : i32
        %dma_wait3A_575 = tpu.memref_slice %arg6[%dma_wait3A_571, %dma_wait3A_573, %dma_wait3A_574] : memref<7x8x2048xf32, #tpu.memory_space<vmem>> -> memref<1x8x2048xf32, #tpu.memory_space<vmem>>
        %dma_wait3A_576 = tpu.memref_squeeze %dma_wait3A_575 : memref<1x8x2048xf32, #tpu.memory_space<vmem>> -> memref<8x2048xf32, #tpu.memory_space<vmem>>
        %dma_wait3A_577 = arith.constant 0 : i32
        %dma_wait3A_578 = tpu.memref_slice %arg4[%add3A_570, %dma_wait3A_577] : memref<16384x2048xf32, #tpu.memory_space<hbm>> -> memref<8x2048xf32, #tpu.memory_space<hbm>>
        %dma_wait3A_579 = tpu.memref_slice %arg8[%dma_wait3A_572] : memref<7x!tpu.dma_semaphore, #tpu.memory_space<semaphore_mem>> -> memref<1x!tpu.dma_semaphore, #tpu.memory_space<semaphore_mem>>
        %dma_wait3A_580 = tpu.memref_squeeze %dma_wait3A_579 : memref<1x!tpu.dma_semaphore, #tpu.memory_space<semaphore_mem>> -> memref<!tpu.dma_semaphore, #tpu.memory_space<semaphore_mem>>
        %dma_wait3A_581 = arith.constant 0 : i32
        %dma_wait3A_582 = tpu.memref_slice %arg4[%add3A_570, %dma_wait3A_581] : memref<16384x2048xf32, #tpu.memory_space<hbm>> -> memref<8x2048xf32, #tpu.memory_space<hbm>>
        %dma_wait3A_583 = arith.constant 0 : i32
        %dma_wait3A_584 = arith.constant 0 : i32
        %dma_wait3A_585 = tpu.memref_slice %arg6[%dma_wait3A_571, %dma_wait3A_583, %dma_wait3A_584] : memref<7x8x2048xf32, #tpu.memory_space<vmem>> -> memref<1x8x2048xf32, #tpu.memory_space<vmem>>
        %dma_wait3A_586 = tpu.memref_squeeze %dma_wait3A_585 : memref<1x8x2048xf32, #tpu.memory_space<vmem>> -> memref<8x2048xf32, #tpu.memory_space<vmem>>
        tpu.wait_dma2 semaphore(%dma_wait3A_580 : memref<!tpu.dma_semaphore, #tpu.memory_space<semaphore_mem>>) src(%dma_wait3A_586 : memref<8x2048xf32, #tpu.memory_space<vmem>>) dst(%dma_wait3A_582 : memref<8x2048xf32, #tpu.memory_space<hbm>>)
        %add3A_587 = arith.constant 7 : i32
        %add3A_588 = arith.addi %add3A_542, %add3A_587 : i32
        %mul3A_589 = arith.constant 8 : i32
        %mul3A_590 = arith.muli %add3A_588, %mul3A_589 : i32
        %dma_start3A_591 = arith.constant 4 : i32
        %dma_start3A_592 = arith.constant 4 : i32
        %dma_start3A_593 = arith.constant 0 : i32
        %dma_start3A_594 = arith.constant 0 : i32
        %dma_start3A_595 = tpu.memref_slice %arg6[%dma_start3A_591, %dma_start3A_593, %dma_start3A_594] : memref<7x8x2048xf32, #tpu.memory_space<vmem>> -> memref<1x8x2048xf32, #tpu.memory_space<vmem>>
        %dma_start3A_596 = tpu.memref_squeeze %dma_start3A_595 : memref<1x8x2048xf32, #tpu.memory_space<vmem>> -> memref<8x2048xf32, #tpu.memory_space<vmem>>
        %dma_start3A_597 = tpu.memref_slice %arg5[%mul3A_590] : memref<512xi32, #tpu.memory_space<vmem>> -> memref<8xi32, #tpu.memory_space<vmem>>
        %dma_start3A_598 = arith.constant 0 : i32
        %dma_start3A_599 = arith.constant 0 : i32
        %dma_start3A_600 = tpu.memref_slice %arg2[%dma_start3A_598, %dma_start3A_599] : memref<4098x2048xf32, #tpu.memory_space<hbm>> -> memref<4098x2048xf32, #tpu.memory_space<hbm>>
        %dma_start3A_601 = tpu.memref_slice %arg7[%dma_start3A_592] : memref<7x!tpu.dma_semaphore, #tpu.memory_space<semaphore_mem>> -> memref<1x!tpu.dma_semaphore, #tpu.memory_space<semaphore_mem>>
        %dma_start3A_602 = tpu.memref_squeeze %dma_start3A_601 : memref<1x!tpu.dma_semaphore, #tpu.memory_space<semaphore_mem>> -> memref<!tpu.dma_semaphore, #tpu.memory_space<semaphore_mem>>
        tpu.enqueue_indirect_dma source(%dma_start3A_600 : memref<4098x2048xf32, #tpu.memory_space<hbm>>) target(%dma_start3A_596 : memref<8x2048xf32, #tpu.memory_space<vmem>>) offsets(%dma_start3A_597 : memref<8xi32, #tpu.memory_space<vmem>>) semaphore(%dma_start3A_602 : memref<!tpu.dma_semaphore, #tpu.memory_space<semaphore_mem>>)
      } else {
      }
      %add3A_550 = arith.constant 5 : i32
      %add3A_551 = arith.addi %mul3A_262, %add3A_550 : i32
      %add3A_552 = arith.constant 7 : i32
      %add3A_553 = arith.addi %add3A_551, %add3A_552 : i32
      %lt3A_554 = arith.constant 64 : i32
      %lt3A_555 = arith.cmpi slt, %add3A_553, %lt3A_554 : i32
      %convert_element_type3A_556 = arith.extui %lt3A_555 : i1 to i32
      %cond3A_557 = arith.constant 0 : i32
      %cond3A_558 = arith.cmpi ne, %convert_element_type3A_556, %cond3A_557 : i32
      scf.if %cond3A_558 {
        %mul3A_568 = arith.constant 8 : i32
        %mul3A_569 = arith.muli %add3A_551, %mul3A_568 : i32
        %add3A_570 = arith.addi %mul3A_2, %mul3A_569 : i32
        %dma_wait3A_571 = arith.constant 5 : i32
        %dma_wait3A_572 = arith.constant 5 : i32
        %dma_wait3A_573 = arith.constant 0 : i32
        %dma_wait3A_574 = arith.constant 0 : i32
        %dma_wait3A_575 = tpu.memref_slice %arg6[%dma_wait3A_571, %dma_wait3A_573, %dma_wait3A_574] : memref<7x8x2048xf32, #tpu.memory_space<vmem>> -> memref<1x8x2048xf32, #tpu.memory_space<vmem>>
        %dma_wait3A_576 = tpu.memref_squeeze %dma_wait3A_575 : memref<1x8x2048xf32, #tpu.memory_space<vmem>> -> memref<8x2048xf32, #tpu.memory_space<vmem>>
        %dma_wait3A_577 = arith.constant 0 : i32
        %dma_wait3A_578 = tpu.memref_slice %arg4[%add3A_570, %dma_wait3A_577] : memref<16384x2048xf32, #tpu.memory_space<hbm>> -> memref<8x2048xf32, #tpu.memory_space<hbm>>
        %dma_wait3A_579 = tpu.memref_slice %arg8[%dma_wait3A_572] : memref<7x!tpu.dma_semaphore, #tpu.memory_space<semaphore_mem>> -> memref<1x!tpu.dma_semaphore, #tpu.memory_space<semaphore_mem>>
        %dma_wait3A_580 = tpu.memref_squeeze %dma_wait3A_579 : memref<1x!tpu.dma_semaphore, #tpu.memory_space<semaphore_mem>> -> memref<!tpu.dma_semaphore, #tpu.memory_space<semaphore_mem>>
        %dma_wait3A_581 = arith.constant 0 : i32
        %dma_wait3A_582 = tpu.memref_slice %arg4[%add3A_570, %dma_wait3A_581] : memref<16384x2048xf32, #tpu.memory_space<hbm>> -> memref<8x2048xf32, #tpu.memory_space<hbm>>
        %dma_wait3A_583 = arith.constant 0 : i32
        %dma_wait3A_584 = arith.constant 0 : i32
        %dma_wait3A_585 = tpu.memref_slice %arg6[%dma_wait3A_571, %dma_wait3A_583, %dma_wait3A_584] : memref<7x8x2048xf32, #tpu.memory_space<vmem>> -> memref<1x8x2048xf32, #tpu.memory_space<vmem>>
        %dma_wait3A_586 = tpu.memref_squeeze %dma_wait3A_585 : memref<1x8x2048xf32, #tpu.memory_space<vmem>> -> memref<8x2048xf32, #tpu.memory_space<vmem>>
        tpu.wait_dma2 semaphore(%dma_wait3A_580 : memref<!tpu.dma_semaphore, #tpu.memory_space<semaphore_mem>>) src(%dma_wait3A_586 : memref<8x2048xf32, #tpu.memory_space<vmem>>) dst(%dma_wait3A_582 : memref<8x2048xf32, #tpu.memory_space<hbm>>)
        %add3A_587 = arith.constant 7 : i32
        %add3A_588 = arith.addi %add3A_551, %add3A_587 : i32
        %mul3A_589 = arith.constant 8 : i32
        %mul3A_590 = arith.muli %add3A_588, %mul3A_589 : i32
        %dma_start3A_591 = arith.constant 5 : i32
        %dma_start3A_592 = arith.constant 5 : i32
        %dma_start3A_593 = arith.constant 0 : i32
        %dma_start3A_594 = arith.constant 0 : i32
        %dma_start3A_595 = tpu.memref_slice %arg6[%dma_start3A_591, %dma_start3A_593, %dma_start3A_594] : memref<7x8x2048xf32, #tpu.memory_space<vmem>> -> memref<1x8x2048xf32, #tpu.memory_space<vmem>>
        %dma_start3A_596 = tpu.memref_squeeze %dma_start3A_595 : memref<1x8x2048xf32, #tpu.memory_space<vmem>> -> memref<8x2048xf32, #tpu.memory_space<vmem>>
        %dma_start3A_597 = tpu.memref_slice %arg5[%mul3A_590] : memref<512xi32, #tpu.memory_space<vmem>> -> memref<8xi32, #tpu.memory_space<vmem>>
        %dma_start3A_598 = arith.constant 0 : i32
        %dma_start3A_599 = arith.constant 0 : i32
        %dma_start3A_600 = tpu.memref_slice %arg2[%dma_start3A_598, %dma_start3A_599] : memref<4098x2048xf32, #tpu.memory_space<hbm>> -> memref<4098x2048xf32, #tpu.memory_space<hbm>>
        %dma_start3A_601 = tpu.memref_slice %arg7[%dma_start3A_592] : memref<7x!tpu.dma_semaphore, #tpu.memory_space<semaphore_mem>> -> memref<1x!tpu.dma_semaphore, #tpu.memory_space<semaphore_mem>>
        %dma_start3A_602 = tpu.memref_squeeze %dma_start3A_601 : memref<1x!tpu.dma_semaphore, #tpu.memory_space<semaphore_mem>> -> memref<!tpu.dma_semaphore, #tpu.memory_space<semaphore_mem>>
        tpu.enqueue_indirect_dma source(%dma_start3A_600 : memref<4098x2048xf32, #tpu.memory_space<hbm>>) target(%dma_start3A_596 : memref<8x2048xf32, #tpu.memory_space<vmem>>) offsets(%dma_start3A_597 : memref<8xi32, #tpu.memory_space<vmem>>) semaphore(%dma_start3A_602 : memref<!tpu.dma_semaphore, #tpu.memory_space<semaphore_mem>>)
      } else {
      }
      %add3A_559 = arith.constant 6 : i32
      %add3A_560 = arith.addi %mul3A_262, %add3A_559 : i32
      %add3A_561 = arith.constant 7 : i32
      %add3A_562 = arith.addi %add3A_560, %add3A_561 : i32
      %lt3A_563 = arith.constant 64 : i32
      %lt3A_564 = arith.cmpi slt, %add3A_562, %lt3A_563 : i32
      %convert_element_type3A_565 = arith.extui %lt3A_564 : i1 to i32
      %cond3A_566 = arith.constant 0 : i32
      %cond3A_567 = arith.cmpi ne, %convert_element_type3A_565, %cond3A_566 : i32
      scf.if %cond3A_567 {
        %mul3A_568 = arith.constant 8 : i32
        %mul3A_569 = arith.muli %add3A_560, %mul3A_568 : i32
        %add3A_570 = arith.addi %mul3A_2, %mul3A_569 : i32
        %dma_wait3A_571 = arith.constant 6 : i32
        %dma_wait3A_572 = arith.constant 6 : i32
        %dma_wait3A_573 = arith.constant 0 : i32
        %dma_wait3A_574 = arith.constant 0 : i32
        %dma_wait3A_575 = tpu.memref_slice %arg6[%dma_wait3A_571, %dma_wait3A_573, %dma_wait3A_574] : memref<7x8x2048xf32, #tpu.memory_space<vmem>> -> memref<1x8x2048xf32, #tpu.memory_space<vmem>>
        %dma_wait3A_576 = tpu.memref_squeeze %dma_wait3A_575 : memref<1x8x2048xf32, #tpu.memory_space<vmem>> -> memref<8x2048xf32, #tpu.memory_space<vmem>>
        %dma_wait3A_577 = arith.constant 0 : i32
        %dma_wait3A_578 = tpu.memref_slice %arg4[%add3A_570, %dma_wait3A_577] : memref<16384x2048xf32, #tpu.memory_space<hbm>> -> memref<8x2048xf32, #tpu.memory_space<hbm>>
        %dma_wait3A_579 = tpu.memref_slice %arg8[%dma_wait3A_572] : memref<7x!tpu.dma_semaphore, #tpu.memory_space<semaphore_mem>> -> memref<1x!tpu.dma_semaphore, #tpu.memory_space<semaphore_mem>>
        %dma_wait3A_580 = tpu.memref_squeeze %dma_wait3A_579 : memref<1x!tpu.dma_semaphore, #tpu.memory_space<semaphore_mem>> -> memref<!tpu.dma_semaphore, #tpu.memory_space<semaphore_mem>>
        %dma_wait3A_581 = arith.constant 0 : i32
        %dma_wait3A_582 = tpu.memref_slice %arg4[%add3A_570, %dma_wait3A_581] : memref<16384x2048xf32, #tpu.memory_space<hbm>> -> memref<8x2048xf32, #tpu.memory_space<hbm>>
        %dma_wait3A_583 = arith.constant 0 : i32
        %dma_wait3A_584 = arith.constant 0 : i32
        %dma_wait3A_585 = tpu.memref_slice %arg6[%dma_wait3A_571, %dma_wait3A_583, %dma_wait3A_584] : memref<7x8x2048xf32, #tpu.memory_space<vmem>> -> memref<1x8x2048xf32, #tpu.memory_space<vmem>>
        %dma_wait3A_586 = tpu.memref_squeeze %dma_wait3A_585 : memref<1x8x2048xf32, #tpu.memory_space<vmem>> -> memref<8x2048xf32, #tpu.memory_space<vmem>>
        tpu.wait_dma2 semaphore(%dma_wait3A_580 : memref<!tpu.dma_semaphore, #tpu.memory_space<semaphore_mem>>) src(%dma_wait3A_586 : memref<8x2048xf32, #tpu.memory_space<vmem>>) dst(%dma_wait3A_582 : memref<8x2048xf32, #tpu.memory_space<hbm>>)
        %add3A_587 = arith.constant 7 : i32
        %add3A_588 = arith.addi %add3A_560, %add3A_587 : i32
        %mul3A_589 = arith.constant 8 : i32
        %mul3A_590 = arith.muli %add3A_588, %mul3A_589 : i32
        %dma_start3A_591 = arith.constant 6 : i32
        %dma_start3A_592 = arith.constant 6 : i32
        %dma_start3A_593 = arith.constant 0 : i32
        %dma_start3A_594 = arith.constant 0 : i32
        %dma_start3A_595 = tpu.memref_slice %arg6[%dma_start3A_591, %dma_start3A_593, %dma_start3A_594] : memref<7x8x2048xf32, #tpu.memory_space<vmem>> -> memref<1x8x2048xf32, #tpu.memory_space<vmem>>
        %dma_start3A_596 = tpu.memref_squeeze %dma_start3A_595 : memref<1x8x2048xf32, #tpu.memory_space<vmem>> -> memref<8x2048xf32, #tpu.memory_space<vmem>>
        %dma_start3A_597 = tpu.memref_slice %arg5[%mul3A_590] : memref<512xi32, #tpu.memory_space<vmem>> -> memref<8xi32, #tpu.memory_space<vmem>>
        %dma_start3A_598 = arith.constant 0 : i32
        %dma_start3A_599 = arith.constant 0 : i32
        %dma_start3A_600 = tpu.memref_slice %arg2[%dma_start3A_598, %dma_start3A_599] : memref<4098x2048xf32, #tpu.memory_space<hbm>> -> memref<4098x2048xf32, #tpu.memory_space<hbm>>
        %dma_start3A_601 = tpu.memref_slice %arg7[%dma_start3A_592] : memref<7x!tpu.dma_semaphore, #tpu.memory_space<semaphore_mem>> -> memref<1x!tpu.dma_semaphore, #tpu.memory_space<semaphore_mem>>
        %dma_start3A_602 = tpu.memref_squeeze %dma_start3A_601 : memref<1x!tpu.dma_semaphore, #tpu.memory_space<semaphore_mem>> -> memref<!tpu.dma_semaphore, #tpu.memory_space<semaphore_mem>>
        tpu.enqueue_indirect_dma source(%dma_start3A_600 : memref<4098x2048xf32, #tpu.memory_space<hbm>>) target(%dma_start3A_596 : memref<8x2048xf32, #tpu.memory_space<vmem>>) offsets(%dma_start3A_597 : memref<8xi32, #tpu.memory_space<vmem>>) semaphore(%dma_start3A_602 : memref<!tpu.dma_semaphore, #tpu.memory_space<semaphore_mem>>)
      } else {
      }
    }
    %scan3A_103 = arith.constant 9 : i32
    %dma_wait3A = arith.constant 0 : i32
    %dma_wait3A_104 = arith.constant 0 : i32
    %dma_wait3A_105 = arith.constant 0 : i32
    %dma_wait3A_106 = arith.constant 0 : i32
    %dma_wait3A_107 = tpu.memref_slice %arg6[%dma_wait3A, %dma_wait3A_105, %dma_wait3A_106] : memref<7x8x2048xf32, #tpu.memory_space<vmem>> -> memref<1x8x2048xf32, #tpu.memory_space<vmem>>
    %dma_wait3A_108 = tpu.memref_squeeze %dma_wait3A_107 : memref<1x8x2048xf32, #tpu.memory_space<vmem>> -> memref<8x2048xf32, #tpu.memory_space<vmem>>
    %dma_wait3A_109 = arith.constant 504 : i32
    %dma_wait3A_110 = tpu.memref_slice %arg5[%dma_wait3A_109] : memref<512xi32, #tpu.memory_space<vmem>> -> memref<8xi32, #tpu.memory_space<vmem>>
    %dma_wait3A_111 = arith.constant 0 : i32
    %dma_wait3A_112 = arith.constant 0 : i32
    %dma_wait3A_113 = tpu.memref_slice %arg2[%dma_wait3A_111, %dma_wait3A_112] : memref<4098x2048xf32, #tpu.memory_space<hbm>> -> memref<4098x2048xf32, #tpu.memory_space<hbm>>
    %dma_wait3A_114 = tpu.memref_slice %arg7[%dma_wait3A_104] : memref<7x!tpu.dma_semaphore, #tpu.memory_space<semaphore_mem>> -> memref<1x!tpu.dma_semaphore, #tpu.memory_space<semaphore_mem>>
    %dma_wait3A_115 = tpu.memref_squeeze %dma_wait3A_114 : memref<1x!tpu.dma_semaphore, #tpu.memory_space<semaphore_mem>> -> memref<!tpu.dma_semaphore, #tpu.memory_space<semaphore_mem>>
    tpu.wait_indirect_dma semaphore(%dma_wait3A_115 : memref<!tpu.dma_semaphore, #tpu.memory_space<semaphore_mem>>) src(%dma_wait3A_113 : memref<4098x2048xf32, #tpu.memory_space<hbm>>) dst(%dma_wait3A_108 : memref<8x2048xf32, #tpu.memory_space<vmem>>)
    %add3A_116 = arith.constant 504 : i32
    %add3A_117 = arith.addi %mul3A_2, %add3A_116 : i32
    %dma_start3A_118 = arith.constant 0 : i32
    %dma_start3A_119 = arith.constant 0 : i32
    %dma_start3A_120 = arith.constant 0 : i32
    %dma_start3A_121 = arith.constant 0 : i32
    %dma_start3A_122 = tpu.memref_slice %arg6[%dma_start3A_118, %dma_start3A_120, %dma_start3A_121] : memref<7x8x2048xf32, #tpu.memory_space<vmem>> -> memref<1x8x2048xf32, #tpu.memory_space<vmem>>
    %dma_start3A_123 = tpu.memref_squeeze %dma_start3A_122 : memref<1x8x2048xf32, #tpu.memory_space<vmem>> -> memref<8x2048xf32, #tpu.memory_space<vmem>>
    %dma_start3A_124 = arith.constant 0 : i32
    %dma_start3A_125 = tpu.memref_slice %arg4[%add3A_117, %dma_start3A_124] : memref<16384x2048xf32, #tpu.memory_space<hbm>> -> memref<8x2048xf32, #tpu.memory_space<hbm>>
    %dma_start3A_126 = tpu.memref_slice %arg8[%dma_start3A_119] : memref<7x!tpu.dma_semaphore, #tpu.memory_space<semaphore_mem>> -> memref<1x!tpu.dma_semaphore, #tpu.memory_space<semaphore_mem>>
    %dma_start3A_127 = tpu.memref_squeeze %dma_start3A_126 : memref<1x!tpu.dma_semaphore, #tpu.memory_space<semaphore_mem>> -> memref<!tpu.dma_semaphore, #tpu.memory_space<semaphore_mem>>
    %dma_start3A_128 = arith.constant 0 : i32
    %dma_start3A_129 = tpu.memref_slice %arg4[%add3A_117, %dma_start3A_128] : memref<16384x2048xf32, #tpu.memory_space<hbm>> -> memref<8x2048xf32, #tpu.memory_space<hbm>>
    %dma_start3A_130 = arith.constant 0 : i32
    %dma_start3A_131 = arith.constant 0 : i32
    %dma_start3A_132 = tpu.memref_slice %arg6[%dma_start3A_118, %dma_start3A_130, %dma_start3A_131] : memref<7x8x2048xf32, #tpu.memory_space<vmem>> -> memref<1x8x2048xf32, #tpu.memory_space<vmem>>
    %dma_start3A_133 = tpu.memref_squeeze %dma_start3A_132 : memref<1x8x2048xf32, #tpu.memory_space<vmem>> -> memref<8x2048xf32, #tpu.memory_space<vmem>>
    tpu.enqueue_dma source(%dma_start3A_133 : memref<8x2048xf32, #tpu.memory_space<vmem>>) target(%dma_start3A_129 : memref<8x2048xf32, #tpu.memory_space<hbm>>) target_semaphore(%dma_start3A_127 : memref<!tpu.dma_semaphore, #tpu.memory_space<semaphore_mem>>)
    %add3A_134 = arith.constant 456 : i32
    %add3A_135 = arith.addi %mul3A_2, %add3A_134 : i32
    %dma_wait3A_136 = arith.constant 1 : i32
    %dma_wait3A_137 = arith.constant 1 : i32
    %dma_wait3A_138 = arith.constant 0 : i32
    %dma_wait3A_139 = arith.constant 0 : i32
    %dma_wait3A_140 = tpu.memref_slice %arg6[%dma_wait3A_136, %dma_wait3A_138, %dma_wait3A_139] : memref<7x8x2048xf32, #tpu.memory_space<vmem>> -> memref<1x8x2048xf32, #tpu.memory_space<vmem>>
    %dma_wait3A_141 = tpu.memref_squeeze %dma_wait3A_140 : memref<1x8x2048xf32, #tpu.memory_space<vmem>> -> memref<8x2048xf32, #tpu.memory_space<vmem>>
    %dma_wait3A_142 = arith.constant 0 : i32
    %dma_wait3A_143 = tpu.memref_slice %arg4[%add3A_135, %dma_wait3A_142] : memref<16384x2048xf32, #tpu.memory_space<hbm>> -> memref<8x2048xf32, #tpu.memory_space<hbm>>
    %dma_wait3A_144 = tpu.memref_slice %arg8[%dma_wait3A_137] : memref<7x!tpu.dma_semaphore, #tpu.memory_space<semaphore_mem>> -> memref<1x!tpu.dma_semaphore, #tpu.memory_space<semaphore_mem>>
    %dma_wait3A_145 = tpu.memref_squeeze %dma_wait3A_144 : memref<1x!tpu.dma_semaphore, #tpu.memory_space<semaphore_mem>> -> memref<!tpu.dma_semaphore, #tpu.memory_space<semaphore_mem>>
    %dma_wait3A_146 = arith.constant 0 : i32
    %dma_wait3A_147 = tpu.memref_slice %arg4[%add3A_135, %dma_wait3A_146] : memref<16384x2048xf32, #tpu.memory_space<hbm>> -> memref<8x2048xf32, #tpu.memory_space<hbm>>
    %dma_wait3A_148 = arith.constant 0 : i32
    %dma_wait3A_149 = arith.constant 0 : i32
    %dma_wait3A_150 = tpu.memref_slice %arg6[%dma_wait3A_136, %dma_wait3A_148, %dma_wait3A_149] : memref<7x8x2048xf32, #tpu.memory_space<vmem>> -> memref<1x8x2048xf32, #tpu.memory_space<vmem>>
    %dma_wait3A_151 = tpu.memref_squeeze %dma_wait3A_150 : memref<1x8x2048xf32, #tpu.memory_space<vmem>> -> memref<8x2048xf32, #tpu.memory_space<vmem>>
    tpu.wait_dma2 semaphore(%dma_wait3A_145 : memref<!tpu.dma_semaphore, #tpu.memory_space<semaphore_mem>>) src(%dma_wait3A_151 : memref<8x2048xf32, #tpu.memory_space<vmem>>) dst(%dma_wait3A_147 : memref<8x2048xf32, #tpu.memory_space<hbm>>)
    %add3A_152 = arith.constant 464 : i32
    %add3A_153 = arith.addi %mul3A_2, %add3A_152 : i32
    %dma_wait3A_154 = arith.constant 2 : i32
    %dma_wait3A_155 = arith.constant 2 : i32
    %dma_wait3A_156 = arith.constant 0 : i32
    %dma_wait3A_157 = arith.constant 0 : i32
    %dma_wait3A_158 = tpu.memref_slice %arg6[%dma_wait3A_154, %dma_wait3A_156, %dma_wait3A_157] : memref<7x8x2048xf32, #tpu.memory_space<vmem>> -> memref<1x8x2048xf32, #tpu.memory_space<vmem>>
    %dma_wait3A_159 = tpu.memref_squeeze %dma_wait3A_158 : memref<1x8x2048xf32, #tpu.memory_space<vmem>> -> memref<8x2048xf32, #tpu.memory_space<vmem>>
    %dma_wait3A_160 = arith.constant 0 : i32
    %dma_wait3A_161 = tpu.memref_slice %arg4[%add3A_153, %dma_wait3A_160] : memref<16384x2048xf32, #tpu.memory_space<hbm>> -> memref<8x2048xf32, #tpu.memory_space<hbm>>
    %dma_wait3A_162 = tpu.memref_slice %arg8[%dma_wait3A_155] : memref<7x!tpu.dma_semaphore, #tpu.memory_space<semaphore_mem>> -> memref<1x!tpu.dma_semaphore, #tpu.memory_space<semaphore_mem>>
    %dma_wait3A_163 = tpu.memref_squeeze %dma_wait3A_162 : memref<1x!tpu.dma_semaphore, #tpu.memory_space<semaphore_mem>> -> memref<!tpu.dma_semaphore, #tpu.memory_space<semaphore_mem>>
    %dma_wait3A_164 = arith.constant 0 : i32
    %dma_wait3A_165 = tpu.memref_slice %arg4[%add3A_153, %dma_wait3A_164] : memref<16384x2048xf32, #tpu.memory_space<hbm>> -> memref<8x2048xf32, #tpu.memory_space<hbm>>
    %dma_wait3A_166 = arith.constant 0 : i32
    %dma_wait3A_167 = arith.constant 0 : i32
    %dma_wait3A_168 = tpu.memref_slice %arg6[%dma_wait3A_154, %dma_wait3A_166, %dma_wait3A_167] : memref<7x8x2048xf32, #tpu.memory_space<vmem>> -> memref<1x8x2048xf32, #tpu.memory_space<vmem>>
    %dma_wait3A_169 = tpu.memref_squeeze %dma_wait3A_168 : memref<1x8x2048xf32, #tpu.memory_space<vmem>> -> memref<8x2048xf32, #tpu.memory_space<vmem>>
    tpu.wait_dma2 semaphore(%dma_wait3A_163 : memref<!tpu.dma_semaphore, #tpu.memory_space<semaphore_mem>>) src(%dma_wait3A_169 : memref<8x2048xf32, #tpu.memory_space<vmem>>) dst(%dma_wait3A_165 : memref<8x2048xf32, #tpu.memory_space<hbm>>)
    %add3A_170 = arith.constant 472 : i32
    %add3A_171 = arith.addi %mul3A_2, %add3A_170 : i32
    %dma_wait3A_172 = arith.constant 3 : i32
    %dma_wait3A_173 = arith.constant 3 : i32
    %dma_wait3A_174 = arith.constant 0 : i32
    %dma_wait3A_175 = arith.constant 0 : i32
    %dma_wait3A_176 = tpu.memref_slice %arg6[%dma_wait3A_172, %dma_wait3A_174, %dma_wait3A_175] : memref<7x8x2048xf32, #tpu.memory_space<vmem>> -> memref<1x8x2048xf32, #tpu.memory_space<vmem>>
    %dma_wait3A_177 = tpu.memref_squeeze %dma_wait3A_176 : memref<1x8x2048xf32, #tpu.memory_space<vmem>> -> memref<8x2048xf32, #tpu.memory_space<vmem>>
    %dma_wait3A_178 = arith.constant 0 : i32
    %dma_wait3A_179 = tpu.memref_slice %arg4[%add3A_171, %dma_wait3A_178] : memref<16384x2048xf32, #tpu.memory_space<hbm>> -> memref<8x2048xf32, #tpu.memory_space<hbm>>
    %dma_wait3A_180 = tpu.memref_slice %arg8[%dma_wait3A_173] : memref<7x!tpu.dma_semaphore, #tpu.memory_space<semaphore_mem>> -> memref<1x!tpu.dma_semaphore, #tpu.memory_space<semaphore_mem>>
    %dma_wait3A_181 = tpu.memref_squeeze %dma_wait3A_180 : memref<1x!tpu.dma_semaphore, #tpu.memory_space<semaphore_mem>> -> memref<!tpu.dma_semaphore, #tpu.memory_space<semaphore_mem>>
    %dma_wait3A_182 = arith.constant 0 : i32
    %dma_wait3A_183 = tpu.memref_slice %arg4[%add3A_171, %dma_wait3A_182] : memref<16384x2048xf32, #tpu.memory_space<hbm>> -> memref<8x2048xf32, #tpu.memory_space<hbm>>
    %dma_wait3A_184 = arith.constant 0 : i32
    %dma_wait3A_185 = arith.constant 0 : i32
    %dma_wait3A_186 = tpu.memref_slice %arg6[%dma_wait3A_172, %dma_wait3A_184, %dma_wait3A_185] : memref<7x8x2048xf32, #tpu.memory_space<vmem>> -> memref<1x8x2048xf32, #tpu.memory_space<vmem>>
    %dma_wait3A_187 = tpu.memref_squeeze %dma_wait3A_186 : memref<1x8x2048xf32, #tpu.memory_space<vmem>> -> memref<8x2048xf32, #tpu.memory_space<vmem>>
    tpu.wait_dma2 semaphore(%dma_wait3A_181 : memref<!tpu.dma_semaphore, #tpu.memory_space<semaphore_mem>>) src(%dma_wait3A_187 : memref<8x2048xf32, #tpu.memory_space<vmem>>) dst(%dma_wait3A_183 : memref<8x2048xf32, #tpu.memory_space<hbm>>)
    %add3A_188 = arith.constant 480 : i32
    %add3A_189 = arith.addi %mul3A_2, %add3A_188 : i32
    %dma_wait3A_190 = arith.constant 4 : i32
    %dma_wait3A_191 = arith.constant 4 : i32
    %dma_wait3A_192 = arith.constant 0 : i32
    %dma_wait3A_193 = arith.constant 0 : i32
    %dma_wait3A_194 = tpu.memref_slice %arg6[%dma_wait3A_190, %dma_wait3A_192, %dma_wait3A_193] : memref<7x8x2048xf32, #tpu.memory_space<vmem>> -> memref<1x8x2048xf32, #tpu.memory_space<vmem>>
    %dma_wait3A_195 = tpu.memref_squeeze %dma_wait3A_194 : memref<1x8x2048xf32, #tpu.memory_space<vmem>> -> memref<8x2048xf32, #tpu.memory_space<vmem>>
    %dma_wait3A_196 = arith.constant 0 : i32
    %dma_wait3A_197 = tpu.memref_slice %arg4[%add3A_189, %dma_wait3A_196] : memref<16384x2048xf32, #tpu.memory_space<hbm>> -> memref<8x2048xf32, #tpu.memory_space<hbm>>
    %dma_wait3A_198 = tpu.memref_slice %arg8[%dma_wait3A_191] : memref<7x!tpu.dma_semaphore, #tpu.memory_space<semaphore_mem>> -> memref<1x!tpu.dma_semaphore, #tpu.memory_space<semaphore_mem>>
    %dma_wait3A_199 = tpu.memref_squeeze %dma_wait3A_198 : memref<1x!tpu.dma_semaphore, #tpu.memory_space<semaphore_mem>> -> memref<!tpu.dma_semaphore, #tpu.memory_space<semaphore_mem>>
    %dma_wait3A_200 = arith.constant 0 : i32
    %dma_wait3A_201 = tpu.memref_slice %arg4[%add3A_189, %dma_wait3A_200] : memref<16384x2048xf32, #tpu.memory_space<hbm>> -> memref<8x2048xf32, #tpu.memory_space<hbm>>
    %dma_wait3A_202 = arith.constant 0 : i32
    %dma_wait3A_203 = arith.constant 0 : i32
    %dma_wait3A_204 = tpu.memref_slice %arg6[%dma_wait3A_190, %dma_wait3A_202, %dma_wait3A_203] : memref<7x8x2048xf32, #tpu.memory_space<vmem>> -> memref<1x8x2048xf32, #tpu.memory_space<vmem>>
    %dma_wait3A_205 = tpu.memref_squeeze %dma_wait3A_204 : memref<1x8x2048xf32, #tpu.memory_space<vmem>> -> memref<8x2048xf32, #tpu.memory_space<vmem>>
    tpu.wait_dma2 semaphore(%dma_wait3A_199 : memref<!tpu.dma_semaphore, #tpu.memory_space<semaphore_mem>>) src(%dma_wait3A_205 : memref<8x2048xf32, #tpu.memory_space<vmem>>) dst(%dma_wait3A_201 : memref<8x2048xf32, #tpu.memory_space<hbm>>)
    %add3A_206 = arith.constant 488 : i32
    %add3A_207 = arith.addi %mul3A_2, %add3A_206 : i32
    %dma_wait3A_208 = arith.constant 5 : i32
    %dma_wait3A_209 = arith.constant 5 : i32
    %dma_wait3A_210 = arith.constant 0 : i32
    %dma_wait3A_211 = arith.constant 0 : i32
    %dma_wait3A_212 = tpu.memref_slice %arg6[%dma_wait3A_208, %dma_wait3A_210, %dma_wait3A_211] : memref<7x8x2048xf32, #tpu.memory_space<vmem>> -> memref<1x8x2048xf32, #tpu.memory_space<vmem>>
    %dma_wait3A_213 = tpu.memref_squeeze %dma_wait3A_212 : memref<1x8x2048xf32, #tpu.memory_space<vmem>> -> memref<8x2048xf32, #tpu.memory_space<vmem>>
    %dma_wait3A_214 = arith.constant 0 : i32
    %dma_wait3A_215 = tpu.memref_slice %arg4[%add3A_207, %dma_wait3A_214] : memref<16384x2048xf32, #tpu.memory_space<hbm>> -> memref<8x2048xf32, #tpu.memory_space<hbm>>
    %dma_wait3A_216 = tpu.memref_slice %arg8[%dma_wait3A_209] : memref<7x!tpu.dma_semaphore, #tpu.memory_space<semaphore_mem>> -> memref<1x!tpu.dma_semaphore, #tpu.memory_space<semaphore_mem>>
    %dma_wait3A_217 = tpu.memref_squeeze %dma_wait3A_216 : memref<1x!tpu.dma_semaphore, #tpu.memory_space<semaphore_mem>> -> memref<!tpu.dma_semaphore, #tpu.memory_space<semaphore_mem>>
    %dma_wait3A_218 = arith.constant 0 : i32
    %dma_wait3A_219 = tpu.memref_slice %arg4[%add3A_207, %dma_wait3A_218] : memref<16384x2048xf32, #tpu.memory_space<hbm>> -> memref<8x2048xf32, #tpu.memory_space<hbm>>
    %dma_wait3A_220 = arith.constant 0 : i32
    %dma_wait3A_221 = arith.constant 0 : i32
    %dma_wait3A_222 = tpu.memref_slice %arg6[%dma_wait3A_208, %dma_wait3A_220, %dma_wait3A_221] : memref<7x8x2048xf32, #tpu.memory_space<vmem>> -> memref<1x8x2048xf32, #tpu.memory_space<vmem>>
    %dma_wait3A_223 = tpu.memref_squeeze %dma_wait3A_222 : memref<1x8x2048xf32, #tpu.memory_space<vmem>> -> memref<8x2048xf32, #tpu.memory_space<vmem>>
    tpu.wait_dma2 semaphore(%dma_wait3A_217 : memref<!tpu.dma_semaphore, #tpu.memory_space<semaphore_mem>>) src(%dma_wait3A_223 : memref<8x2048xf32, #tpu.memory_space<vmem>>) dst(%dma_wait3A_219 : memref<8x2048xf32, #tpu.memory_space<hbm>>)
    %add3A_224 = arith.constant 496 : i32
    %add3A_225 = arith.addi %mul3A_2, %add3A_224 : i32
    %dma_wait3A_226 = arith.constant 6 : i32
    %dma_wait3A_227 = arith.constant 6 : i32
    %dma_wait3A_228 = arith.constant 0 : i32
    %dma_wait3A_229 = arith.constant 0 : i32
    %dma_wait3A_230 = tpu.memref_slice %arg6[%dma_wait3A_226, %dma_wait3A_228, %dma_wait3A_229] : memref<7x8x2048xf32, #tpu.memory_space<vmem>> -> memref<1x8x2048xf32, #tpu.memory_space<vmem>>
    %dma_wait3A_231 = tpu.memref_squeeze %dma_wait3A_230 : memref<1x8x2048xf32, #tpu.memory_space<vmem>> -> memref<8x2048xf32, #tpu.memory_space<vmem>>
    %dma_wait3A_232 = arith.constant 0 : i32
    %dma_wait3A_233 = tpu.memref_slice %arg4[%add3A_225, %dma_wait3A_232] : memref<16384x2048xf32, #tpu.memory_space<hbm>> -> memref<8x2048xf32, #tpu.memory_space<hbm>>
    %dma_wait3A_234 = tpu.memref_slice %arg8[%dma_wait3A_227] : memref<7x!tpu.dma_semaphore, #tpu.memory_space<semaphore_mem>> -> memref<1x!tpu.dma_semaphore, #tpu.memory_space<semaphore_mem>>
    %dma_wait3A_235 = tpu.memref_squeeze %dma_wait3A_234 : memref<1x!tpu.dma_semaphore, #tpu.memory_space<semaphore_mem>> -> memref<!tpu.dma_semaphore, #tpu.memory_space<semaphore_mem>>
    %dma_wait3A_236 = arith.constant 0 : i32
    %dma_wait3A_237 = tpu.memref_slice %arg4[%add3A_225, %dma_wait3A_236] : memref<16384x2048xf32, #tpu.memory_space<hbm>> -> memref<8x2048xf32, #tpu.memory_space<hbm>>
    %dma_wait3A_238 = arith.constant 0 : i32
    %dma_wait3A_239 = arith.constant 0 : i32
    %dma_wait3A_240 = tpu.memref_slice %arg6[%dma_wait3A_226, %dma_wait3A_238, %dma_wait3A_239] : memref<7x8x2048xf32, #tpu.memory_space<vmem>> -> memref<1x8x2048xf32, #tpu.memory_space<vmem>>
    %dma_wait3A_241 = tpu.memref_squeeze %dma_wait3A_240 : memref<1x8x2048xf32, #tpu.memory_space<vmem>> -> memref<8x2048xf32, #tpu.memory_space<vmem>>
    tpu.wait_dma2 semaphore(%dma_wait3A_235 : memref<!tpu.dma_semaphore, #tpu.memory_space<semaphore_mem>>) src(%dma_wait3A_241 : memref<8x2048xf32, #tpu.memory_space<vmem>>) dst(%dma_wait3A_237 : memref<8x2048xf32, #tpu.memory_space<hbm>>)
    %add3A_242 = arith.constant 504 : i32
    %add3A_243 = arith.addi %mul3A_2, %add3A_242 : i32
    %dma_wait3A_244 = arith.constant 0 : i32
    %dma_wait3A_245 = arith.constant 0 : i32
    %dma_wait3A_246 = arith.constant 0 : i32
    %dma_wait3A_247 = arith.constant 0 : i32
    %dma_wait3A_248 = tpu.memref_slice %arg6[%dma_wait3A_244, %dma_wait3A_246, %dma_wait3A_247] : memref<7x8x2048xf32, #tpu.memory_space<vmem>> -> memref<1x8x2048xf32, #tpu.memory_space<vmem>>
    %dma_wait3A_249 = tpu.memref_squeeze %dma_wait3A_248 : memref<1x8x2048xf32, #tpu.memory_space<vmem>> -> memref<8x2048xf32, #tpu.memory_space<vmem>>
    %dma_wait3A_250 = arith.constant 0 : i32
    %dma_wait3A_251 = tpu.memref_slice %arg4[%add3A_243, %dma_wait3A_250] : memref<16384x2048xf32, #tpu.memory_space<hbm>> -> memref<8x2048xf32, #tpu.memory_space<hbm>>
    %dma_wait3A_252 = tpu.memref_slice %arg8[%dma_wait3A_245] : memref<7x!tpu.dma_semaphore, #tpu.memory_space<semaphore_mem>> -> memref<1x!tpu.dma_semaphore, #tpu.memory_space<semaphore_mem>>
    %dma_wait3A_253 = tpu.memref_squeeze %dma_wait3A_252 : memref<1x!tpu.dma_semaphore, #tpu.memory_space<semaphore_mem>> -> memref<!tpu.dma_semaphore, #tpu.memory_space<semaphore_mem>>
    %dma_wait3A_254 = arith.constant 0 : i32
    %dma_wait3A_255 = tpu.memref_slice %arg4[%add3A_243, %dma_wait3A_254] : memref<16384x2048xf32, #tpu.memory_space<hbm>> -> memref<8x2048xf32, #tpu.memory_space<hbm>>
    %dma_wait3A_256 = arith.constant 0 : i32
    %dma_wait3A_257 = arith.constant 0 : i32
    %dma_wait3A_258 = tpu.memref_slice %arg6[%dma_wait3A_244, %dma_wait3A_256, %dma_wait3A_257] : memref<7x8x2048xf32, #tpu.memory_space<vmem>> -> memref<1x8x2048xf32, #tpu.memory_space<vmem>>
    %dma_wait3A_259 = tpu.memref_squeeze %dma_wait3A_258 : memref<1x8x2048xf32, #tpu.memory_space<vmem>> -> memref<8x2048xf32, #tpu.memory_space<vmem>>
    tpu.wait_dma2 semaphore(%dma_wait3A_253 : memref<!tpu.dma_semaphore, #tpu.memory_space<semaphore_mem>>) src(%dma_wait3A_259 : memref<8x2048xf32, #tpu.memory_space<vmem>>) dst(%dma_wait3A_255 : memref<8x2048xf32, #tpu.memory_space<hbm>>)
    return
  }
}

</mosaic_0001>

<sc_bundles>
// kernel: kernel.4.cloned.1.call-start
scs
__scs_entry_jumppad:
0x0: {  	(pc) =	sbr.rel $0x88, $3  }
0x1: {  	(tag) =	ssettag $0x0;
	lr =	simm.s32 $0x1  }
0x2: {  	[smem:$0x3F9F] =	sst lr;
	_ =	strace $0xD0000000  }
0x3: {  	_ = 	snop  }
0x4: {  	_ = 	snop  }
0x5: {  	_ = 	snop  }
0x6: {  	_ = 	snop  }
0x7: {  	_ = 	snop  }
__scs_overlays_trampoline_lowered:
0x8: {  	[smem:$0x3FAE] =	sst s0  }
0x9: {  	[smem:$0x3FAF] =	sst s1  }
0xa: {  	[smem:$0x3FB0] =	sst s2  }
0xb: {  	[smem:$0x3FB1] =	sst s3  }
0xc: {  	[smem:$0x3FB2] =	sst s4  }
0xd: {  	[smem:$0x3FB3] =	sst s5  }
0xe: {  	[smem:$0x3FB4] =	sst s6  }
0xf: {  	[smem:$0x3FB5] =	sst s7  }
0x10: {  	[smem:$0x3FB6] =	sst s8  }
0x11: {  	[smem:$0x3FB7] =	sst s9;
	s0 =	simm.s32 @!p0 $0x0  }
0x12: {  	s1 =	sld [smem:$0x3F9D];
	s0 =	simm.s32 @p0 $0x1  }
0x13: {  	[smem:$0x3FB8] =	sst s0;
	s0 =	simm.s32 @!p1 $0x0  }
0x14: {  	s2 =	sld [smem:$0x3F9C];
	s0 =	simm.s32 @p1 $0x1  }
0x15: {  	[smem:$0x3FB9] =	sst s0;
	s0 =	simm.s32 @!p2 $0x0  }
0x16: {  	s3 =	sld [smem:$0x3FDB];
	s0 =	simm.s32 @p2 $0x1  }
0x17: {  	s4 =	simm.s32 $0x1BF5;
	[smem:$0x3FBB] =	sst s0  }
0x18: {  	s0 =	sld [smem:$0x3F9E];
	_ =	swait.ge [sflag:s4], $0x0  }
0x19: {  	s7 =	sld [smem:$0x3F9F]  }
0x1a: {  	s8 =	sadd.s32 $0xFFFFE003, lr  }
0x1b: {  	s9 =	sadd.s32 $0xFFFFFEF7, lr;
	s5 =	simm.s32 $0xFFFFFFFF;
	p2 =	slt.u32 s8, $0xFFFFF086  }
0x1c: {  	p1 =	slt.u32 s9, $0xF7A;
	s5 =	simm.s32 @!p2 $0x0  }
0x1d: {  	s5 =	simm.s32 @p1 $0x1;
	p0 =	seq.s32 s7, s2  }
0x1e: {  	s7 =	smul.u32 @!p0 $0xF7A, s2;
	p2 =	seq.s32 @!p0 s5, $0x0  }
0x1f: {  	s9 =	smul.u32 $0xF7A, s1;
	s8 =	simm.s32 @!p0 $0x1BF5;
	p2 =	por !p2, p0  }
0x20: {  	[sflag:s8] =	ssyncset.s32 @!p0 $0xFFFFF086;
	s6 =	sadd.s32 @!p0 s3, s7;
	s7 =	simm.s32 @!p0 $0x108  }
0x21: {  	s3 =	sadd.s32 s3, s9;
	s6 =	sadd.s32 @!p0 $0x88, s6;
	s7 =	simm.s32 @p2 $0x1082  }
0x22: {  	[simem:s7], [sflag:s8] =	dma.local @!p0 [hbm:s6], $0xF7A  }
0x23: {  	s9 =	sor.u32 $0xD0000000, s2;
	s6 =	simm.s32 $0x108;
	_ =	swait.ge @!p0 [sflag:s8], $0x0  }
0x24: {  	s3 =	sadd.s32 $0x88, s3;
	s6 =	simm.s32 @!p1 $0x1082;
	[sflag:s4] =	ssyncset.s32 $0xFFFFF086  }
0x25: {  	[simem:s6], [sflag:s4] =	dma.local [hbm:s3], $0xF7A  }
0x26: {  	[smem:$0x3F9F] =	sst s1;
	(tag) =	ssettag s2;
	_ =	strace s9  }
0x27: {  	s1 =	sld [smem:$0x3FAF]  }
0x28: {  	s2 =	sld [smem:$0x3FB0]  }
0x29: {  	s4 =	sld [smem:$0x3FB2]  }
0x2a: {  	p0 =	seq.s32 s5, $0x0;
	s5 =	sld [smem:$0x3FB3]  }
0x2b: {  	s6 =	sld [smem:$0x3FB4]  }
0x2c: {  	s7 =	sld [smem:$0x3FB5]  }
0x2d: {  	s3 =	simm.s32 $0x108;
	s8 =	sld [smem:$0x3FB6]  }
0x2e: {  	s3 =	simm.s32 @!p0 $0x1082;
	s9 =	sld [smem:$0x3FB7]  }
0x2f: {  	lr =	sadd.s32 s0, s3;
	s0 =	sld [smem:$0x3FAE]  }
0x30: {  	s3 =	sld [smem:$0x3FB1]  }
0x31: {  	[smem:$0x3FBA] =	sst s10  }
0x32: {  	s10 =	sld [smem:$0x3FB8];
	_ =	sdelay $0x3  }
0x33: {  	p0 =	seq.s32 s10, $0x1;
	s10 =	sld [smem:$0x3FBA];
	_ =	sdelay $0x3  }
0x34: {  	[smem:$0x3FBA] =	sst s10  }
0x35: {  	s10 =	sld [smem:$0x3FB9];
	_ =	sdelay $0x3  }
0x36: {  	p1 =	seq.s32 s10, $0x1;
	s10 =	sld [smem:$0x3FBA];
	_ =	sdelay $0x3  }
0x37: {  	[smem:$0x3FBA] =	sst s10  }
0x38: {  	s10 =	sld [smem:$0x3FBB]  }
0x39: {  	_ = 	snop;
	(pc) =	sbr.ind lr, $3  }
0x3a: {  	_ = 	snop  }
0x3b: {  	_ = 	snop  }
0x3c: {  	p2 =	seq.s32 s10, $0x1;
	s10 =	sld [smem:$0x3FBA]  }
0x3d: {  	_ =	shalt  }
0x3e: {  	_ =	shalt  }
0x3f: {  	_ =	shalt  }
0x40: {  	_ =	shalt  }
0x41: {  	_ =	shalt  }
0x42: {  	_ =	shalt  }
0x43: {  	_ =	shalt  }
0x44: {  	_ =	shalt  }
0x45: {  	_ =	shalt  }
0x46: {  	_ =	shalt  }
0x47: {  	_ =	shalt  }
0x48: {  	_ =	shalt  }
0x49: {  	_ =	shalt  }
0x4a: {  	_ =	shalt  }
0x4b: {  	_ =	shalt  }
0x4c: {  	_ =	shalt  }
0x4d: {  	_ =	shalt  }
0x4e: {  	_ =	shalt  }
0x4f: {  	_ =	shalt  }
0x50: {  	_ =	shalt  }
0x51: {  	_ =	shalt  }
0x52: {  	_ =	shalt  }
0x53: {  	_ =	shalt  }
0x54: {  	_ =	shalt  }
0x55: {  	_ =	shalt  }
0x56: {  	_ =	shalt  }
0x57: {  	_ =	shalt  }
0x58: {  	_ =	shalt  }
0x59: {  	_ =	shalt  }
0x5a: {  	_ =	shalt  }
0x5b: {  	_ =	shalt  }
0x5c: {  	_ =	shalt  }
0x5d: {  	_ =	shalt  }
0x5e: {  	_ =	shalt  }
0x5f: {  	_ =	shalt  }
0x60: {  	_ =	shalt  }
0x61: {  	_ =	shalt  }
0x62: {  	_ =	shalt  }
0x63: {  	_ =	shalt  }
0x64: {  	_ =	shalt  }
0x65: {  	_ =	shalt  }
0x66: {  	_ =	shalt  }
0x67: {  	_ =	shalt  }
0x68: {  	_ =	shalt  }
0x69: {  	_ =	shalt  }
0x6a: {  	_ =	shalt  }
0x6b: {  	_ =	shalt  }
0x6c: {  	_ =	shalt  }
0x6d: {  	_ =	shalt  }
0x6e: {  	_ =	shalt  }
0x6f: {  	_ =	shalt  }
0x70: {  	_ =	shalt  }
0x71: {  	_ =	shalt  }
0x72: {  	_ =	shalt  }
0x73: {  	_ =	shalt  }
0x74: {  	_ =	shalt  }
0x75: {  	_ =	shalt  }
0x76: {  	_ =	shalt  }
0x77: {  	_ =	shalt  }
0x78: {  	_ =	shalt  }
0x79: {  	_ =	shalt  }
0x7a: {  	_ =	shalt  }
0x7b: {  	_ =	shalt  }
0x7c: {  	_ =	shalt  }
0x7d: {  	_ =	shalt  }
0x7e: {  	_ =	shalt  }
0x7f: {  	_ =	shalt  }
0x80: {  	_ =	shalt  }
0x81: {  	_ =	shalt  }
0x82: {  	_ =	shalt  }
0x83: {  	_ =	shalt  }
0x84: {  	_ =	shalt  }
0x85: {  	_ =	shalt  }
0x86: {  	_ =	shalt  }
0x87: {  	_ =	shalt  }
.Lfunc_end0:
.L_simem_size_0:
called_computation_lowered:
.L_overlay_start_0:
0x88: {  	s2 =	sld [smem:$0x3FD9]  }
0x89: {  	s3 =	sld [smem:$0x3FFE];
	_ =	sdelay $0x1  }
0x8a: {  	s1 =	srdreg.scid  }
0x8b: {  	s0 =	sand.u32 $0x1, s1  }
0x8c: {  	s17 =	sshll.u32 s0, $0xA;
	s2 =	sadd.s32 s3, s2  }
0x8d: {  	s2 =	sadd.s32 s2, s17  }
0x8e: {  	[smem:$0x3FC6] =	sst s2  }
0x8f: {  	_ = 	snop  }
0x90: {  	s2 =	sld [smem:$0x3FC8]  }
0x91: {  	s18 =	sld [smem:$0x3FD0];
	(tm) =	ssettm $0x1  }
0x92: {  	s4 =	sld [smem:$0x3FFB];
	_ =	sdelay $0x3  }
0x93: {  	_ =	strace s4  }
0x94: {  	s4 =	sld [smem:$0x3FFC];
	_ =	sdelay $0x3  }
0x95: {  	_ =	strace s4  }
0x96: {  	s4 =	sld [smem:$0x3FFD];
	_ =	sdelay $0x3  }
0x97: {  	_ =	strace s4  }
0x98: {  	_ =	strace $0x8FFFFFFF  }
0x99: {  	s19 =	sld [smem:$0x3FDB];
	_ =	sdelay $0x1  }
0x9a: {  	s5 =	simm.s32 $_scs_section_size  }
0x9b: {  	s6 =	simm.s32 $_size__tile_overlayer_lowered;
	s7 =	simm.s32 $_tile_overlayer_lowered  }
0x9c: {  	s22 =	simm.s32 $0x1BFF;
	s21 =	sshll.u32 s7, $0x1;
	s4 =	sadd.s32 s5, s19  }
0x9d: {  	s8 =	simm.s32 $0x0;
	s20 =	sshll.u32 s6, $0x1;
	s6 =	sadd.s32 s21, s4  }
0x9e: {  	[timem:s8], [sflag:s22] =	dma.local [hbm:s6], s20  }
0x9f: {  	_ =	swait.ge [sflag:s22], s20  }
0xa0: {  	s5 =	ssub.s32 $0x0, s20;
	[sflag:s22] =	ssyncset.done $0x0  }
0xa1: {  	[sflag:s22] =	ssyncadd.s32 s5;
	_ =	sdelay $0x1  }
0xa2: {  	s23 =	simm.s32 $0x1B8B  }
0xa3: {  	_ =	swait.ge [sflag:s23], $0x1  }
0xa4: {  	[sflag:s23] =	ssyncset.done $0x0  }
0xa5: {  	s25 =	simm.s32 $0x1B8E;
	s24 =	sld [smem:$0x3FFE];
	[sflag:s23] =	ssyncadd.s32 $0xFFFFFFFF  }
0xa6: {  	s26 =	simm.s32 $execute0_lowered;
	[smem:$0x3FD2] =	sst s25  }
0xa7: {  	s6 =	sshll.u32 s26, $0x1;
	_ =	strace $0x80000046;
	[dreg:$0x1] =	wrdreg $0xFFFFFFFF  }
0xa8: {  	s28 =	simm.s32 $_size_execute0_lowered;
	s4 =	sadd.s32 s4, s6;
	[dreg:$0x0] =	wrdreg $0x0  }
0xa9: {  	s6 =	sshll.u32 s28, $0x1;
	[dreg:$0x2] =	wrdreg s4  }
0xaa: {  	[dreg:$0x3] =	wrdreg s6  }
0xab: {  	[dreg:$0x4] =	wrdreg $0xC0  }
0xac: {  	_ =	task [dreg:s8], $0x5FFFF  }
0xad: {  	[dreg:$0x1] =	wrdreg $0xFFFFFFFF  }
0xae: {  	[dreg:$0x0] =	wrdreg $0x60  }
0xaf: {  	[dreg:$0x2] =	wrdreg s2  }
0xb0: {  	[dreg:$0x3] =	wrdreg s24  }
0xb1: {  	[dreg:$0x4] =	wrdreg s18  }
0xb2: {  	[dreg:$0x5] =	wrdreg $0x9  }
0xb3: {  	_ =	task.clear_ibuf [dreg:s8], $0x6FFFF;
	_ =	strace $0x90000046  }
0xb4: {  	s29 =	simm.s32 $0x9;
	_ =	strace $0x80000048  }
0xb5: {  	_ =	swait.ge [sflag:s29], $0x1  }
0xb6: {  	[sflag:s29] =	ssyncadd.s32 $0xFFFFFFFF  }
0xb7: {  	_ =	strace $0x90000048  }
0xb8: {  	_ =	sfence  }
0xb9: {  	s30 =	sld [smem:$0x0];
	_ =	sdelay $0x2  }
0xba: {  	s31 =	sshll.u32 s1, $0xD;
	s1 =	sshrl.u32 s1, $0x2  }
0xbb: {  	s3 =	sand.u32 $0x4000, s31;
	s1 =	sadd.s32 s1, s30  }
0xbc: {  	s0 =	sor.u32 s3, s0;
	s1 =	sshll.u32 s1, $0x11  }
0xbd: {  	s0 =	sor.u32 s1, s0  }
0xbe: {  	s0 =	sadd.s32 $0x8F2B, s0  }
0xbf: {  	[sflag:s0] =	ssyncadd.remote.s32 $0x1  }
0xc0: {  	_ =	sfence.sel $0xFFFF  }
0xc1: {  	[dreg:$0x0] =	wrdreg $0xFFFFFFFF;
	(pc) =	sbr.abs _section_cstart, $3  }
0xc2: {  	[dreg:$0x1] =	wrdreg $0xFFFFFFFF  }
0xc3: {  	_ =	task.clear_ibuf [dreg:s8], $0x2FFFF;
	_ =	strace $0x9FFFFFFF  }
0xc4: {  	(tm) =	ssettm $0x7FFFFFFF  }
0xc5: {  	_ =	shalt  }
tec
execute0_lowered:
.L_overlay_start_1:
0x0: {  	(tag) =	ssettag $0x1  }
0x1: {  	s1 =	rddreg [dreg:$0x0]  }
0x2: {  	s0 =	srdreg.scid;
	s2 =	rddreg [dreg:$0x1]  }
0x3: {  	s14 =	stileid.u32;
	s4 =	rddreg [dreg:$0x2]  }
0x4: {  	s16 =	simm.s32 $0x4200;
	s19 =	simm.s32 $0x8200;
	s28 =	simm.s32 $0x1  }
0x5: {  	s17 =	simm.s32 $0x5;
	s18 =	simm.s32 $0x7;
	s20 =	simm.s32 $0x9  }
0x6: {  	s15 =	simm.s32 $0xA;
	s21 =	simm.s32 $0xB;
	s22 =	simm.s32 $0xD  }
0x7: {  	s31 =	simm.s32 $0x14200;
	s30 =	simm.s32 $0x10200;
	s29 =	simm.s32 $0x200  }
0x8: {  	s0 =	sand.u32 $0x1, s0;
	s3 =	sshll.u32 s14, $0xA;
	s7 =	sadd.s32 $0x300, s1  }
0x9: {  	s8 =	sadd.s32 $0x400, s1;
	s9 =	sadd.s32 $0x500, s1;
	s10 =	sadd.s32 $0x600, s1  }
0xa: {  	s11 =	sadd.s32 $0x700, s1;
	s25 =	sshll.u32 s14, $0x12;
	s14 =	simm.s32 $0x200  }
0xb: {  	s5 =	sshll.u32 s0, $0x9;
	s6 =	ssub.s32 $0x2, s0;
	s0 =	sshll.u32 s0, $0x11  }
0xc: {  	s12 =	sor.u32 s5, s3;
	s3 =	simm.s32 $0x0;
	s23 =	sshrl.u32 s6, $0x1  }
0xd: {  	s5 =	sshrl.u32 s12, $0x3;
	[smem:$0x7FF] =	sst s3;
	s13 =	ssub.s32 s6, s23  }
0xe: {  	s6 =	sadd.s32 $0x200, s1;
	s24 =	sshll.u32 s12, $0x8;
	s23 =	simm.s32 $0xC200  }
0xf: {  	s12 =	simm.s32 $0x10200;
	s2 =	sadd.s32 s5, s2;
	_ =	strace $0x80000047  }
0x10: {  	s5 =	sadd.s32 $0x100, s1;
	s26 =	smax.u32 s13, $0x1;
	s13 =	simm.s32 $0x8  }
.Ltmp0:
0x11: {  	s2 =	sadd.s32 $0x400, s2;
	[dreg:$0x6] =	wrdreg s26;
	(pc) =	sbr.rel .LBB2_1-.Ltmp0, $4  }
0x12: {  	s26 =	simm.s32 $0xE;
	[dreg:$0x4] =	wrdreg s2;
	s2 =	sadd.s32 s24, s4  }
0x13: {  	v0 =	vlaneseq.u32;
	s4 =	sadd.s32 s25, s4;
	s24 =	simm.s32 $0x14200;
	s2 =	sadd.s32 $0x1F800, s2  }
0x14: {  	v1 =	vshrl.u32 v0, $0x3;
	s25 =	simm.s32 $0xC;
	s0 =	sadd.s32 s0, s4;
	[dreg:$0x5] =	wrdreg s2  }
0x15: {  	vm0 =	vmmov $0xffff;
	v0 =	vand.u32 $0x7, v0;
	v1 =	vmul.u32 $0x8, v1;
	s4 =	simm.s32 $0x6;
	[dreg:$0x7] =	wrdreg s0;
	s2 =	simm.s32 $0x0  }
.LBB2_4:
0x16: {  	_ =	swait.ge [sflag:s28], $0x4000  }
0x17: {  	[sflag:s28] =	ssyncset.done $0x0  }
0x18: {  	s14 =	simm.s32 $0x200;
	s0 =	rddreg [dreg:$0x5];
	[sflag:s28] =	ssyncadd.s32 $0xFFFFC000  }
0x19: {  	[hbm4b:s0+s3] =	stream.linear.scatter [tilespmem:s14], [sflag:$0x8], $0x4000, $0x38;
	[tilespmem:$0x1C200] =	vst v63  }
0x1a: {  	_ =	swait.ge [sflag:s20], $0x4000  }
0x1b: {  	[sflag:s20] =	ssyncset.done $0x0  }
0x1c: {  	[sflag:s20] =	ssyncadd.s32 $0xFFFFC000  }
0x1d: {  	_ =	swait.ge [sflag:s15], $0x4000  }
0x1e: {  	[sflag:s15] =	ssyncset.done $0x0  }
0x1f: {  	[sflag:s15] =	ssyncadd.s32 $0xFFFFC000  }
0x20: {  	_ =	swait.ge [sflag:s21], $0x4000  }
0x21: {  	[sflag:s21] =	ssyncset.done $0x0  }
0x22: {  	[sflag:s21] =	ssyncadd.s32 $0xFFFFC000  }
0x23: {  	_ =	swait.ge [sflag:s25], $0x4000  }
0x24: {  	[sflag:s25] =	ssyncset.done $0x0  }
0x25: {  	[sflag:s25] =	ssyncadd.s32 $0xFFFFC000  }
0x26: {  	_ =	swait.ge [sflag:s22], $0x4000  }
0x27: {  	[sflag:s22] =	ssyncset.done $0x0  }
0x28: {  	[sflag:s22] =	ssyncadd.s32 $0xFFFFC000  }
0x29: {  	_ =	swait.ge [sflag:s26], $0x4000  }
0x2a: {  	[sflag:s26] =	ssyncset.done $0x0  }
0x2b: {  	[sflag:s26] =	ssyncadd.s32 $0xFFFFC000  }
0x2c: {  	_ =	swait.ge [sflag:s13], $0x4000  }
0x2d: {  	s2 =	rddreg [dreg:$0x8]  }
0x2e: {  	s24 =	rddreg [dreg:$0x6];
	s2 =	sadd.s32 $0x1, s2  }
0x2f: {  	p0 =	sne.s32 s2, s24  }
.Ltmp1:
0x30: {  	_ = 	snop;
	(pc) =	sbr.rel @!p0 .LBB2_5-.Ltmp1, $4  }
0x31: {  	_ = 	snop  }
0x32: {  	s16 =	simm.s32 $0x4200  }
0x33: {  	s19 =	simm.s32 $0x8200;
	s23 =	simm.s32 $0xC200;
	[sflag:s13] =	ssyncset.done $0x0  }
0x34: {  	s12 =	simm.s32 $0x10200;
	[sflag:s13] =	ssyncadd.s32 $0xFFFFC000;
	s24 =	simm.s32 $0x14200  }
.LBB2_1:
0x35: {  	[dreg:$0x8] =	wrdreg s2  }
0x36: {  	s0 =	rddreg [dreg:$0x4];
	s2 =	simm.s32 $0xF  }
0x37: {  	[tilespmem:s3], [sflag:$0xF] =	stream.linear.gather [hbm4b:s0+s3], $0x200, $0x38;
	[tilespmem:$0x1C200] =	vst v63  }
0x38: {  	_ =	swait.ge [sflag:s2], $0x200  }
0x39: {  	[sflag:s2] =	ssyncset.done $0x0  }
0x3a: {  	[sflag:s2] =	ssyncadd.s32 $0xFFFFFE00  }
0x3b: {  	v2 =	vld [tilespmem:$0x0]  }
0x3c: {  	v3 =	vld [tilespmem:$0x10]  }
0x3d: {  	v4 =	vld [tilespmem:$0x20]  }
0x3e: {  	v5 =	vld [tilespmem:$0x30]  }
0x3f: {  	v6 =	vld [tilespmem:$0x40]  }
0x40: {  	v7 =	vld [tilespmem:$0x50]  }
0x41: {  	v8 =	vld [tilespmem:$0x60];
	v2 =	vadd.s32 $0x2, v2  }
0x42: {  	v42 =	vld [tilespmem:$0x80];
	[tilespmem:$0x0] =	vst v2;
	v2 =	vadd.s32 $0x2, v3  }
0x43: {  	v3 =	vld [tilespmem:$0x70];
	[tilespmem:$0x10] =	vst v2;
	v2 =	vadd.s32 $0x2, v4  }
0x44: {  	v43 =	vld [tilespmem:$0x90];
	[tilespmem:$0x20] =	vst v2;
	v2 =	vadd.s32 $0x2, v5  }
0x45: {  	v44 =	vld [tilespmem:$0xA0];
	[tilespmem:$0x30] =	vst v2;
	v2 =	vadd.s32 $0x2, v6  }
0x46: {  	v45 =	vld [tilespmem:$0xB0];
	[tilespmem:$0x40] =	vst v2;
	v2 =	vadd.s32 $0x2, v7  }
0x47: {  	v46 =	vld [tilespmem:$0xC0];
	[tilespmem:$0x50] =	vst v2;
	v2 =	vadd.s32 $0x2, v8  }
0x48: {  	v47 =	vld [tilespmem:$0xE0];
	[tilespmem:$0x60] =	vst v2;
	v2 =	vadd.s32 $0x2, v3  }
0x49: {  	v3 =	vld [tilespmem:$0xD0];
	[tilespmem:$0x70] =	vst v2;
	v2 =	vadd.s32 $0x2, v42  }
0x4a: {  	v48 =	vld [tilespmem:$0xF0];
	[tilespmem:$0x80] =	vst v2;
	v2 =	vadd.s32 $0x2, v43  }
0x4b: {  	v49 =	vld [tilespmem:$0x100];
	[tilespmem:$0x90] =	vst v2;
	v2 =	vadd.s32 $0x2, v44  }
0x4c: {  	v50 =	vld [tilespmem:$0x110];
	[tilespmem:$0xA0] =	vst v2;
	v2 =	vadd.s32 $0x2, v45  }
0x4d: {  	v51 =	vld [tilespmem:$0x120];
	[tilespmem:$0xB0] =	vst v2;
	v2 =	vadd.s32 $0x2, v46  }
0x4e: {  	v52 =	vld [tilespmem:$0x140];
	[tilespmem:$0xC0] =	vst v2;
	v2 =	vadd.s32 $0x2, v3  }
0x4f: {  	v3 =	vld [tilespmem:$0x130];
	[tilespmem:$0xD0] =	vst v2;
	v2 =	vadd.s32 $0x2, v47  }
0x50: {  	v53 =	vld [tilespmem:$0x150];
	[tilespmem:$0xE0] =	vst v2;
	v2 =	vadd.s32 $0x2, v48  }
0x51: {  	v54 =	vld [tilespmem:$0x160];
	[tilespmem:$0xF0] =	vst v2;
	v2 =	vadd.s32 $0x2, v49  }
0x52: {  	v55 =	vld [tilespmem:$0x170];
	[tilespmem:$0x100] =	vst v2;
	v2 =	vadd.s32 $0x2, v50  }
0x53: {  	v56 =	vld.msk [tilespmem:$0x0], $0xff;
	[tilespmem:$0x110] =	vst v2;
	v2 =	vadd.s32 $0x2, v51  }
0x54: {  	[tilespmem:$0x120] =	vst v2;
	v2 =	vadd.s32 $0x2, v3;
	v3 =	vld [tilespmem:$0x180]  }
0x55: {  	v57 =	vld [tilespmem:$0x190];
	[tilespmem:$0x130] =	vst v2;
	v2 =	vadd.s32 $0x2, v52  }
0x56: {  	v58 =	vld [tilespmem:$0x1A0];
	[tilespmem:$0x140] =	vst v2;
	v2 =	vadd.s32 $0x2, v53  }
0x57: {  	v59 =	vld [tilespmem:$0x1B0];
	[tilespmem:$0x150] =	vst v2;
	v2 =	vadd.s32 $0x2, v54  }
0x58: {  	v60 =	vld [tilespmem:$0x1C0];
	v9 =	vshll.u32 v56, $0x4;
	[tilespmem:$0x160] =	vst v2;
	v2 =	vadd.s32 $0x2, v55  }
0x59: {  	v8 =	vand.u32 $0x7, v56;
	v9 =	vand.u32 $0xFFFFFF80, v9;
	[tilespmem:$0x170] =	vst v2;
	v2 =	vadd.s32 $0x2, v3;
	v3 =	vld [tilespmem:$0x1D0]  }
0x5a: {  	v62 =	vld [tilespmem:$0x1E0];
	v61 =	vor.u32 v8, v9;
	[tilespmem:$0x180] =	vst v2;
	v2 =	vadd.s32 $0x2, v57  }
0x5b: {  	v63 =	vld [tilespmem:$0x1F0];
	v4 =	vperm.xlane v61, v0;
	[tilespmem:$0x190] =	vst v2;
	v2 =	vadd.s32 $0x2, v58  }
0x5c: {  	[tilespmem:$0x1A0] =	vst v2;
	v2 =	vadd.s32 $0x2, v59  }
0x5d: {  	v4 =	vadd.s32 v1, v4;
	[tilespmem:$0x1B0] =	vst v2;
	v2 =	vadd.s32 $0x2, v60  }
0x5e: {  	[tilespmem:$0x1C0] =	vst v2;
	v2 =	vadd.s32 $0x2, v3  }
0x5f: {  	[tilespmem:$0x1D0] =	vst v2;
	v2 =	vadd.s32 $0x2, v62  }
0x60: {  	[tilespmem:$0x1E0] =	vst v2;
	v2 =	vadd.s32 $0x2, v63  }
0x61: {  	[tilespmem:$0x1F0] =	vst v2  }
0x62: {  	[tilespmem:s14], [sflag:$0x1] =	stream.indirect_vreg.gather [hbm4b:s1+s3], $0x80, v4, vm0, $0xb8;
	[tilespmem:$0x1C200] =	vst v63  }
0x63: {  	s14 =	simm.s32 $0xA00  }
0x64: {  	[tilespmem:s14], [sflag:$0x1] =	stream.indirect_vreg.gather [hbm4b:s5+s3], $0x80, v4, vm0, $0xb8;
	[tilespmem:$0x1C200] =	vst v63  }
0x65: {  	s2 =	simm.s32 $0x1200  }
0x66: {  	[tilespmem:s2], [sflag:$0x1] =	stream.indirect_vreg.gather [hbm4b:s6+s3], $0x80, v4, vm0, $0xb8;
	[tilespmem:$0x1C200] =	vst v63  }
0x67: {  	s14 =	simm.s32 $0x1A00  }
0x68: {  	[tilespmem:s14], [sflag:$0x1] =	stream.indirect_vreg.gather [hbm4b:s7+s3], $0x80, v4, vm0, $0xb8;
	[tilespmem:$0x1C200] =	vst v63  }
0x69: {  	s2 =	simm.s32 $0x2200  }
0x6a: {  	[tilespmem:s2], [sflag:$0x1] =	stream.indirect_vreg.gather [hbm4b:s8+s3], $0x80, v4, vm0, $0xb8;
	[tilespmem:$0x1C200] =	vst v63  }
0x6b: {  	s14 =	simm.s32 $0x2A00  }
0x6c: {  	[tilespmem:s14], [sflag:$0x1] =	stream.indirect_vreg.gather [hbm4b:s9+s3], $0x80, v4, vm0, $0xb8;
	[tilespmem:$0x1C200] =	vst v63  }
0x6d: {  	s2 =	simm.s32 $0x3200  }
0x6e: {  	[tilespmem:s2], [sflag:$0x1] =	stream.indirect_vreg.gather [hbm4b:s10+s3], $0x80, v4, vm0, $0xb8;
	[tilespmem:$0x1C200] =	vst v63  }
0x6f: {  	s14 =	simm.s32 $0x3A00  }
0x70: {  	[tilespmem:s14], [sflag:$0x1] =	stream.indirect_vreg.gather [hbm4b:s11+s3], $0x80, v4, vm0, $0xb8;
	[tilespmem:$0x1C200] =	vst v63  }
0x71: {  	v2 =	vld.msk [tilespmem:$0x8], $0xff;
	_ =	sdelay $0x4  }
0x72: {  	v3 =	vshll.u32 v2, $0x4  }
0x73: {  	v2 =	vand.u32 $0x7, v2;
	v3 =	vand.u32 $0xFFFFFF80, v3  }
0x74: {  	v2 =	vor.u32 v2, v3  }
0x75: {  	v2 =	vperm.xlane v2, v0;
	_ =	sdelay $0x1  }
0x76: {  	v2 =	vadd.s32 v1, v2;
	_ =	sdelay $0x4  }
0x77: {  	[tilespmem:s16], [sflag:$0x2] =	stream.indirect_vreg.gather [hbm4b:s1+s3], $0x80, v2, vm0, $0xb8;
	[tilespmem:$0x1C200] =	vst v63  }
0x78: {  	s16 =	simm.s32 $0x4A00  }
0x79: {  	[tilespmem:s16], [sflag:$0x2] =	stream.indirect_vreg.gather [hbm4b:s5+s3], $0x80, v2, vm0, $0xb8;
	[tilespmem:$0x1C200] =	vst v63  }
0x7a: {  	s2 =	simm.s32 $0x5200  }
0x7b: {  	[tilespmem:s2], [sflag:$0x2] =	stream.indirect_vreg.gather [hbm4b:s6+s3], $0x80, v2, vm0, $0xb8;
	[tilespmem:$0x1C200] =	vst v63  }
0x7c: {  	s14 =	simm.s32 $0x5A00  }
0x7d: {  	[tilespmem:s14], [sflag:$0x2] =	stream.indirect_vreg.gather [hbm4b:s7+s3], $0x80, v2, vm0, $0xb8;
	[tilespmem:$0x1C200] =	vst v63  }
0x7e: {  	s16 =	simm.s32 $0x6200  }
0x7f: {  	[tilespmem:s16], [sflag:$0x2] =	stream.indirect_vreg.gather [hbm4b:s8+s3], $0x80, v2, vm0, $0xb8;
	[tilespmem:$0x1C200] =	vst v63  }
0x80: {  	s2 =	simm.s32 $0x6A00  }
0x81: {  	[tilespmem:s2], [sflag:$0x2] =	stream.indirect_vreg.gather [hbm4b:s9+s3], $0x80, v2, vm0, $0xb8;
	[tilespmem:$0x1C200] =	vst v63  }
0x82: {  	s14 =	simm.s32 $0x7200  }
0x83: {  	[tilespmem:s14], [sflag:$0x2] =	stream.indirect_vreg.gather [hbm4b:s10+s3], $0x80, v2, vm0, $0xb8;
	[tilespmem:$0x1C200] =	vst v63  }
0x84: {  	s16 =	simm.s32 $0x7A00  }
0x85: {  	[tilespmem:s16], [sflag:$0x2] =	stream.indirect_vreg.gather [hbm4b:s11+s3], $0x80, v2, vm0, $0xb8;
	[tilespmem:$0x1C200] =	vst v63  }
0x86: {  	v2 =	vld.msk [tilespmem:$0x10], $0xff;
	_ =	sdelay $0x4  }
0x87: {  	v3 =	vshll.u32 v2, $0x4  }
0x88: {  	v2 =	vand.u32 $0x7, v2;
	v3 =	vand.u32 $0xFFFFFF80, v3  }
0x89: {  	v2 =	vor.u32 v2, v3  }
0x8a: {  	v2 =	vperm.xlane v2, v0;
	_ =	sdelay $0x1  }
0x8b: {  	v2 =	vadd.s32 v1, v2;
	_ =	sdelay $0x4  }
0x8c: {  	[tilespmem:s19], [sflag:$0x3] =	stream.indirect_vreg.gather [hbm4b:s1+s3], $0x80, v2, vm0, $0xb8;
	[tilespmem:$0x1C200] =	vst v63  }
0x8d: {  	s19 =	simm.s32 $0x8A00  }
0x8e: {  	[tilespmem:s19], [sflag:$0x3] =	stream.indirect_vreg.gather [hbm4b:s5+s3], $0x80, v2, vm0, $0xb8;
	[tilespmem:$0x1C200] =	vst v63  }
0x8f: {  	s2 =	simm.s32 $0x9200  }
0x90: {  	[tilespmem:s2], [sflag:$0x3] =	stream.indirect_vreg.gather [hbm4b:s6+s3], $0x80, v2, vm0, $0xb8;
	[tilespmem:$0x1C200] =	vst v63  }
0x91: {  	s14 =	simm.s32 $0x9A00  }
0x92: {  	[tilespmem:s14], [sflag:$0x3] =	stream.indirect_vreg.gather [hbm4b:s7+s3], $0x80, v2, vm0, $0xb8;
	[tilespmem:$0x1C200] =	vst v63  }
0x93: {  	s16 =	simm.s32 $0xA200  }
0x94: {  	[tilespmem:s16], [sflag:$0x3] =	stream.indirect_vreg.gather [hbm4b:s8+s3], $0x80, v2, vm0, $0xb8;
	[tilespmem:$0x1C200] =	vst v63  }
0x95: {  	s19 =	simm.s32 $0xAA00  }
0x96: {  	[tilespmem:s19], [sflag:$0x3] =	stream.indirect_vreg.gather [hbm4b:s9+s3], $0x80, v2, vm0, $0xb8;
	[tilespmem:$0x1C200] =	vst v63  }
0x97: {  	s2 =	simm.s32 $0xB200  }
0x98: {  	[tilespmem:s2], [sflag:$0x3] =	stream.indirect_vreg.gather [hbm4b:s10+s3], $0x80, v2, vm0, $0xb8;
	[tilespmem:$0x1C200] =	vst v63  }
0x99: {  	s14 =	simm.s32 $0xBA00  }
0x9a: {  	[tilespmem:s14], [sflag:$0x3] =	stream.indirect_vreg.gather [hbm4b:s11+s3], $0x80, v2, vm0, $0xb8;
	[tilespmem:$0x1C200] =	vst v63  }
0x9b: {  	v2 =	vld.msk [tilespmem:$0x18], $0xff;
	_ =	sdelay $0x4  }
0x9c: {  	v3 =	vshll.u32 v2, $0x4  }
0x9d: {  	v2 =	vand.u32 $0x7, v2;
	v3 =	vand.u32 $0xFFFFFF80, v3  }
0x9e: {  	v2 =	vor.u32 v2, v3  }
0x9f: {  	v2 =	vperm.xlane v2, v0;
	_ =	sdelay $0x1  }
0xa0: {  	v2 =	vadd.s32 v1, v2;
	_ =	sdelay $0x4  }
0xa1: {  	[tilespmem:s23], [sflag:$0x4] =	stream.indirect_vreg.gather [hbm4b:s1+s3], $0x80, v2, vm0, $0xb8;
	[tilespmem:$0x1C200] =	vst v63  }
0xa2: {  	s16 =	simm.s32 $0xCA00  }
0xa3: {  	[tilespmem:s16], [sflag:$0x4] =	stream.indirect_vreg.gather [hbm4b:s5+s3], $0x80, v2, vm0, $0xb8;
	[tilespmem:$0x1C200] =	vst v63  }
0xa4: {  	s19 =	simm.s32 $0xD200  }
0xa5: {  	[tilespmem:s19], [sflag:$0x4] =	stream.indirect_vreg.gather [hbm4b:s6+s3], $0x80, v2, vm0, $0xb8;
	[tilespmem:$0x1C200] =	vst v63  }
0xa6: {  	s23 =	simm.s32 $0xDA00  }
0xa7: {  	[tilespmem:s23], [sflag:$0x4] =	stream.indirect_vreg.gather [hbm4b:s7+s3], $0x80, v2, vm0, $0xb8;
	[tilespmem:$0x1C200] =	vst v63  }
0xa8: {  	s2 =	simm.s32 $0xE200  }
0xa9: {  	[tilespmem:s2], [sflag:$0x4] =	stream.indirect_vreg.gather [hbm4b:s8+s3], $0x80, v2, vm0, $0xb8;
	[tilespmem:$0x1C200] =	vst v63  }
0xaa: {  	s14 =	simm.s32 $0xEA00  }
0xab: {  	[tilespmem:s14], [sflag:$0x4] =	stream.indirect_vreg.gather [hbm4b:s9+s3], $0x80, v2, vm0, $0xb8;
	[tilespmem:$0x1C200] =	vst v63  }
0xac: {  	s16 =	simm.s32 $0xF200  }
0xad: {  	[tilespmem:s16], [sflag:$0x4] =	stream.indirect_vreg.gather [hbm4b:s10+s3], $0x80, v2, vm0, $0xb8;
	[tilespmem:$0x1C200] =	vst v63  }
0xae: {  	s19 =	simm.s32 $0xFA00  }
0xaf: {  	[tilespmem:s19], [sflag:$0x4] =	stream.indirect_vreg.gather [hbm4b:s11+s3], $0x80, v2, vm0, $0xb8;
	[tilespmem:$0x1C200] =	vst v63  }
0xb0: {  	v2 =	vld.msk [tilespmem:$0x20], $0xff;
	_ =	sdelay $0x4  }
0xb1: {  	v3 =	vshll.u32 v2, $0x4  }
0xb2: {  	v2 =	vand.u32 $0x7, v2;
	v3 =	vand.u32 $0xFFFFFF80, v3  }
0xb3: {  	v2 =	vor.u32 v2, v3  }
0xb4: {  	v2 =	vperm.xlane v2, v0;
	_ =	sdelay $0x1  }
0xb5: {  	v2 =	vadd.s32 v1, v2;
	_ =	sdelay $0x4  }
0xb6: {  	[tilespmem:s12], [sflag:$0x5] =	stream.indirect_vreg.gather [hbm4b:s1+s3], $0x80, v2, vm0, $0xb8;
	[tilespmem:$0x1C200] =	vst v63  }
0xb7: {  	s23 =	simm.s32 $0x10A00  }
0xb8: {  	[tilespmem:s23], [sflag:$0x5] =	stream.indirect_vreg.gather [hbm4b:s5+s3], $0x80, v2, vm0, $0xb8;
	[tilespmem:$0x1C200] =	vst v63  }
0xb9: {  	s2 =	simm.s32 $0x11200  }
0xba: {  	[tilespmem:s2], [sflag:$0x5] =	stream.indirect_vreg.gather [hbm4b:s6+s3], $0x80, v2, vm0, $0xb8;
	[tilespmem:$0x1C200] =	vst v63  }
0xbb: {  	s12 =	simm.s32 $0x11A00  }
0xbc: {  	[tilespmem:s12], [sflag:$0x5] =	stream.indirect_vreg.gather [hbm4b:s7+s3], $0x80, v2, vm0, $0xb8;
	[tilespmem:$0x1C200] =	vst v63  }
0xbd: {  	s14 =	simm.s32 $0x12200  }
0xbe: {  	[tilespmem:s14], [sflag:$0x5] =	stream.indirect_vreg.gather [hbm4b:s8+s3], $0x80, v2, vm0, $0xb8;
	[tilespmem:$0x1C200] =	vst v63  }
0xbf: {  	s16 =	simm.s32 $0x12A00  }
0xc0: {  	[tilespmem:s16], [sflag:$0x5] =	stream.indirect_vreg.gather [hbm4b:s9+s3], $0x80, v2, vm0, $0xb8;
	[tilespmem:$0x1C200] =	vst v63  }
0xc1: {  	s19 =	simm.s32 $0x13200  }
0xc2: {  	[tilespmem:s19], [sflag:$0x5] =	stream.indirect_vreg.gather [hbm4b:s10+s3], $0x80, v2, vm0, $0xb8;
	[tilespmem:$0x1C200] =	vst v63  }
0xc3: {  	s23 =	simm.s32 $0x13A00  }
0xc4: {  	[tilespmem:s23], [sflag:$0x5] =	stream.indirect_vreg.gather [hbm4b:s11+s3], $0x80, v2, vm0, $0xb8;
	[tilespmem:$0x1C200] =	vst v63  }
0xc5: {  	v2 =	vld.msk [tilespmem:$0x28], $0xff;
	_ =	sdelay $0x4  }
0xc6: {  	v3 =	vshll.u32 v2, $0x4  }
0xc7: {  	v2 =	vand.u32 $0x7, v2;
	v3 =	vand.u32 $0xFFFFFF80, v3  }
0xc8: {  	v2 =	vor.u32 v2, v3  }
0xc9: {  	v2 =	vperm.xlane v2, v0;
	_ =	sdelay $0x1  }
0xca: {  	v2 =	vadd.s32 v1, v2;
	_ =	sdelay $0x4  }
0xcb: {  	[tilespmem:s24], [sflag:$0x6] =	stream.indirect_vreg.gather [hbm4b:s1+s3], $0x80, v2, vm0, $0xb8;
	[tilespmem:$0x1C200] =	vst v63  }
0xcc: {  	s24 =	simm.s32 $0x14A00  }
0xcd: {  	[tilespmem:s24], [sflag:$0x6] =	stream.indirect_vreg.gather [hbm4b:s5+s3], $0x80, v2, vm0, $0xb8;
	[tilespmem:$0x1C200] =	vst v63  }
0xce: {  	s2 =	simm.s32 $0x15200  }
0xcf: {  	[tilespmem:s2], [sflag:$0x6] =	stream.indirect_vreg.gather [hbm4b:s6+s3], $0x80, v2, vm0, $0xb8;
	[tilespmem:$0x1C200] =	vst v63  }
0xd0: {  	s12 =	simm.s32 $0x15A00  }
0xd1: {  	[tilespmem:s12], [sflag:$0x6] =	stream.indirect_vreg.gather [hbm4b:s7+s3], $0x80, v2, vm0, $0xb8;
	[tilespmem:$0x1C200] =	vst v63  }
0xd2: {  	s14 =	simm.s32 $0x16200  }
0xd3: {  	[tilespmem:s14], [sflag:$0x6] =	stream.indirect_vreg.gather [hbm4b:s8+s3], $0x80, v2, vm0, $0xb8;
	[tilespmem:$0x1C200] =	vst v63  }
0xd4: {  	s16 =	simm.s32 $0x16A00  }
0xd5: {  	[tilespmem:s16], [sflag:$0x6] =	stream.indirect_vreg.gather [hbm4b:s9+s3], $0x80, v2, vm0, $0xb8;
	[tilespmem:$0x1C200] =	vst v63  }
0xd6: {  	s19 =	simm.s32 $0x17200  }
0xd7: {  	[tilespmem:s19], [sflag:$0x6] =	stream.indirect_vreg.gather [hbm4b:s10+s3], $0x80, v2, vm0, $0xb8;
	[tilespmem:$0x1C200] =	vst v63  }
0xd8: {  	s23 =	simm.s32 $0x17A00  }
0xd9: {  	[tilespmem:s23], [sflag:$0x6] =	stream.indirect_vreg.gather [hbm4b:s11+s3], $0x80, v2, vm0, $0xb8;
	[tilespmem:$0x1C200] =	vst v63  }
0xda: {  	v2 =	vld.msk [tilespmem:$0x30], $0xff;
	_ =	sdelay $0x4  }
0xdb: {  	v3 =	vshll.u32 v2, $0x4  }
0xdc: {  	v2 =	vand.u32 $0x7, v2;
	v3 =	vand.u32 $0xFFFFFF80, v3  }
0xdd: {  	v2 =	vor.u32 v2, v3  }
0xde: {  	v2 =	vperm.xlane v2, v0;
	_ =	sdelay $0x1  }
0xdf: {  	v2 =	vadd.s32 v1, v2;
	_ =	sdelay $0x3  }
0xe0: {  	s2 =	simm.s32 $0x18200  }
0xe1: {  	[tilespmem:s2], [sflag:$0x7] =	stream.indirect_vreg.gather [hbm4b:s1+s3], $0x80, v2, vm0, $0xb8;
	[tilespmem:$0x1C200] =	vst v63  }
0xe2: {  	s24 =	simm.s32 $0x18A00  }
0xe3: {  	[tilespmem:s24], [sflag:$0x7] =	stream.indirect_vreg.gather [hbm4b:s5+s3], $0x80, v2, vm0, $0xb8;
	[tilespmem:$0x1C200] =	vst v63  }
0xe4: {  	s12 =	simm.s32 $0x19200  }
0xe5: {  	[tilespmem:s12], [sflag:$0x7] =	stream.indirect_vreg.gather [hbm4b:s6+s3], $0x80, v2, vm0, $0xb8;
	[tilespmem:$0x1C200] =	vst v63  }
0xe6: {  	s14 =	simm.s32 $0x19A00  }
0xe7: {  	[tilespmem:s14], [sflag:$0x7] =	stream.indirect_vreg.gather [hbm4b:s7+s3], $0x80, v2, vm0, $0xb8;
	[tilespmem:$0x1C200] =	vst v63  }
0xe8: {  	s16 =	simm.s32 $0x1A200  }
0xe9: {  	[tilespmem:s16], [sflag:$0x7] =	stream.indirect_vreg.gather [hbm4b:s8+s3], $0x80, v2, vm0, $0xb8;
	[tilespmem:$0x1C200] =	vst v63  }
0xea: {  	s19 =	simm.s32 $0x1AA00  }
0xeb: {  	[tilespmem:s19], [sflag:$0x7] =	stream.indirect_vreg.gather [hbm4b:s9+s3], $0x80, v2, vm0, $0xb8;
	[tilespmem:$0x1C200] =	vst v63  }
0xec: {  	s23 =	simm.s32 $0x1B200  }
0xed: {  	[tilespmem:s23], [sflag:$0x7] =	stream.indirect_vreg.gather [hbm4b:s10+s3], $0x80, v2, vm0, $0xb8;
	[tilespmem:$0x1C200] =	vst v63  }
0xee: {  	s24 =	simm.s32 $0x1BA00;
	s12 =	simm.s32 $0xC200;
	s14 =	simm.s32 $0x68  }
0xef: {  	[tilespmem:s24], [sflag:$0x7] =	stream.indirect_vreg.gather [hbm4b:s11+s3], $0x80, v2, vm0, $0xb8;
	[tilespmem:$0x1C200] =	vst v63  }
0xf0: {  	s19 =	simm.s32 $0x4200;
	s23 =	simm.s32 $0x8200;
	s24 =	simm.s32 $0x0  }
.LBB2_2:
0xf1: {  	_ =	swait.ge [sflag:s28], $0x4000  }
0xf2: {  	[sflag:s28] =	ssyncset.done $0x0;
	s0 =	rddreg [dreg:$0x7]  }
0xf3: {  	[sflag:s28] =	ssyncadd.s32 $0xFFFFC000;
	s16 =	sadd.s32 s24, s0;
	s0 =	simm.s32 $0x2  }
0xf4: {  	[hbm4b:s16+s3] =	stream.linear.scatter [tilespmem:s29], [sflag:$0x8], $0x4000, $0x38;
	[tilespmem:$0x1C200] =	vst v63  }
0xf5: {  	_ =	swait.ge [sflag:s0], $0x4000  }
0xf6: {  	[sflag:s0] =	ssyncset.done $0x0  }
0xf7: {  	[sflag:s0] =	ssyncadd.s32 $0xFFFFC000;
	s0 =	sadd.s32 $0x800, s16  }
0xf8: {  	[hbm4b:s0+s3] =	stream.linear.scatter [tilespmem:s19], [sflag:$0x9], $0x4000, $0x38;
	[tilespmem:$0x1C200] =	vst v63  }
0xf9: {  	s0 =	simm.s32 $0x3  }
0xfa: {  	_ =	swait.ge [sflag:s0], $0x4000  }
0xfb: {  	[sflag:s0] =	ssyncset.done $0x0  }
0xfc: {  	[sflag:s0] =	ssyncadd.s32 $0xFFFFC000;
	s0 =	sadd.s32 $0x1000, s16  }
0xfd: {  	[hbm4b:s0+s3] =	stream.linear.scatter [tilespmem:s23], [sflag:$0xA], $0x4000, $0x38;
	[tilespmem:$0x1C200] =	vst v63  }
0xfe: {  	s0 =	simm.s32 $0x4  }
0xff: {  	_ =	swait.ge [sflag:s0], $0x4000  }
0x100: {  	[sflag:s0] =	ssyncset.done $0x0  }
0x101: {  	[sflag:s0] =	ssyncadd.s32 $0xFFFFC000;
	s0 =	sadd.s32 $0x1800, s16  }
0x102: {  	[hbm4b:s0+s3] =	stream.linear.scatter [tilespmem:s12], [sflag:$0xB], $0x4000, $0x38;
	[tilespmem:$0x1C200] =	vst v63  }
0x103: {  	_ =	swait.ge [sflag:s17], $0x4000  }
0x104: {  	[sflag:s17] =	ssyncset.done $0x0  }
0x105: {  	s0 =	sadd.s32 $0x2000, s16;
	[sflag:s17] =	ssyncadd.s32 $0xFFFFC000  }
0x106: {  	[hbm4b:s0+s3] =	stream.linear.scatter [tilespmem:s30], [sflag:$0xC], $0x4000, $0x38;
	[tilespmem:$0x1C200] =	vst v63  }
0x107: {  	_ =	swait.ge [sflag:s4], $0x4000  }
0x108: {  	[sflag:s4] =	ssyncset.done $0x0  }
0x109: {  	s0 =	sadd.s32 $0x2800, s16;
	[sflag:s4] =	ssyncadd.s32 $0xFFFFC000  }
0x10a: {  	[hbm4b:s0+s3] =	stream.linear.scatter [tilespmem:s31], [sflag:$0xD], $0x4000, $0x38;
	[tilespmem:$0x1C200] =	vst v63  }
0x10b: {  	_ =	swait.ge [sflag:s18], $0x4000  }
0x10c: {  	[sflag:s18] =	ssyncset.done $0x0  }
0x10d: {  	s16 =	sadd.s32 $0x3000, s16;
	[sflag:s18] =	ssyncadd.s32 $0xFFFFC000  }
0x10e: {  	[hbm4b:s16+s3] =	stream.linear.scatter [tilespmem:s2], [sflag:$0xE], $0x4000, $0x38;
	[tilespmem:$0x1C200] =	vst v63  }
0x10f: {  	_ =	swait.ge [sflag:s13], $0x4000  }
0x110: {  	[sflag:s13] =	ssyncset.done $0x0  }
0x111: {  	[sflag:s13] =	ssyncadd.s32 $0xFFFFC000  }
0x112: {  	v2 =	vld.msk [tilespmem:s14+$0xFFFFFFD0], $0xff;
	_ =	sdelay $0x4  }
0x113: {  	v3 =	vshll.u32 v2, $0x4  }
0x114: {  	v2 =	vand.u32 $0x7, v2;
	v3 =	vand.u32 $0xFFFFFF80, v3  }
0x115: {  	v2 =	vor.u32 v2, v3  }
0x116: {  	v2 =	vperm.xlane v2, v0;
	_ =	sdelay $0x1  }
0x117: {  	v2 =	vadd.s32 v1, v2;
	_ =	sdelay $0x4  }
0x118: {  	[tilespmem:s29], [sflag:$0x1] =	stream.indirect_vreg.gather [hbm4b:s1+s3], $0x80, v2, vm0, $0xb8;
	[tilespmem:$0x1C200] =	vst v63  }
0x119: {  	s16 =	simm.s32 $0xA00  }
0x11a: {  	[tilespmem:s16], [sflag:$0x1] =	stream.indirect_vreg.gather [hbm4b:s5+s3], $0x80, v2, vm0, $0xb8;
	[tilespmem:$0x1C200] =	vst v63  }
0x11b: {  	s2 =	simm.s32 $0x1200  }
0x11c: {  	[tilespmem:s2], [sflag:$0x1] =	stream.indirect_vreg.gather [hbm4b:s6+s3], $0x80, v2, vm0, $0xb8;
	[tilespmem:$0x1C200] =	vst v63  }
0x11d: {  	s16 =	simm.s32 $0x1A00  }
0x11e: {  	[tilespmem:s16], [sflag:$0x1] =	stream.indirect_vreg.gather [hbm4b:s7+s3], $0x80, v2, vm0, $0xb8;
	[tilespmem:$0x1C200] =	vst v63  }
0x11f: {  	s2 =	simm.s32 $0x2200  }
0x120: {  	[tilespmem:s2], [sflag:$0x1] =	stream.indirect_vreg.gather [hbm4b:s8+s3], $0x80, v2, vm0, $0xb8;
	[tilespmem:$0x1C200] =	vst v63  }
0x121: {  	p0 =	seq.s32 s24, $0x1C000;
	s16 =	simm.s32 $0x2A00  }
0x122: {  	[tilespmem:s16], [sflag:$0x1] =	stream.indirect_vreg.gather [hbm4b:s9+s3], $0x80, v2, vm0, $0xb8;
	[tilespmem:$0x1C200] =	vst v63  }
.Ltmp2:
0x123: {  	s2 =	simm.s32 $0x3200;
	(pc) =	sbr.rel @p0 .LBB2_4-.Ltmp2, $4  }
0x124: {  	[tilespmem:s2], [sflag:$0x1] =	stream.indirect_vreg.gather [hbm4b:s10+s3], $0x80, v2, vm0, $0xb8;
	[tilespmem:$0x1C200] =	vst v63  }
0x125: {  	s16 =	simm.s32 $0x3A00  }
0x126: {  	[tilespmem:s16], [sflag:$0x1] =	stream.indirect_vreg.gather [hbm4b:s11+s3], $0x80, v2, vm0, $0xb8;
	[tilespmem:$0x1C200] =	vst v63  }
0x127: {  	s16 =	simm.s32 $0x18200  }
0x128: {  	_ =	swait.ge [sflag:s20], $0x4000  }
0x129: {  	[sflag:s20] =	ssyncset.done $0x0  }
0x12a: {  	[sflag:s20] =	ssyncadd.s32 $0xFFFFC000  }
0x12b: {  	v2 =	vld.msk [tilespmem:s14+$0xFFFFFFD8], $0xff;
	_ =	sdelay $0x4  }
0x12c: {  	v3 =	vshll.u32 v2, $0x4  }
0x12d: {  	v2 =	vand.u32 $0x7, v2;
	v3 =	vand.u32 $0xFFFFFF80, v3  }
0x12e: {  	v2 =	vor.u32 v2, v3  }
0x12f: {  	v2 =	vperm.xlane v2, v0;
	_ =	sdelay $0x1  }
0x130: {  	v2 =	vadd.s32 v1, v2;
	_ =	sdelay $0x4  }
0x131: {  	[tilespmem:s19], [sflag:$0x2] =	stream.indirect_vreg.gather [hbm4b:s1+s3], $0x80, v2, vm0, $0xb8;
	[tilespmem:$0x1C200] =	vst v63  }
0x132: {  	s0 =	simm.s32 $0x4A00  }
0x133: {  	[tilespmem:s0], [sflag:$0x2] =	stream.indirect_vreg.gather [hbm4b:s5+s3], $0x80, v2, vm0, $0xb8;
	[tilespmem:$0x1C200] =	vst v63  }
0x134: {  	s2 =	simm.s32 $0x5200  }
0x135: {  	[tilespmem:s2], [sflag:$0x2] =	stream.indirect_vreg.gather [hbm4b:s6+s3], $0x80, v2, vm0, $0xb8;
	[tilespmem:$0x1C200] =	vst v63  }
0x136: {  	s2 =	simm.s32 $0x5A00  }
0x137: {  	[tilespmem:s2], [sflag:$0x2] =	stream.indirect_vreg.gather [hbm4b:s7+s3], $0x80, v2, vm0, $0xb8;
	[tilespmem:$0x1C200] =	vst v63  }
0x138: {  	s2 =	simm.s32 $0x6200  }
0x139: {  	[tilespmem:s2], [sflag:$0x2] =	stream.indirect_vreg.gather [hbm4b:s8+s3], $0x80, v2, vm0, $0xb8;
	[tilespmem:$0x1C200] =	vst v63  }
0x13a: {  	s2 =	simm.s32 $0x6A00  }
0x13b: {  	[tilespmem:s2], [sflag:$0x2] =	stream.indirect_vreg.gather [hbm4b:s9+s3], $0x80, v2, vm0, $0xb8;
	[tilespmem:$0x1C200] =	vst v63  }
0x13c: {  	s2 =	simm.s32 $0x7200  }
0x13d: {  	[tilespmem:s2], [sflag:$0x2] =	stream.indirect_vreg.gather [hbm4b:s10+s3], $0x80, v2, vm0, $0xb8;
	[tilespmem:$0x1C200] =	vst v63  }
0x13e: {  	s2 =	simm.s32 $0x7A00  }
0x13f: {  	[tilespmem:s2], [sflag:$0x2] =	stream.indirect_vreg.gather [hbm4b:s11+s3], $0x80, v2, vm0, $0xb8;
	[tilespmem:$0x1C200] =	vst v63  }
0x140: {  	_ =	swait.ge [sflag:s15], $0x4000  }
0x141: {  	[sflag:s15] =	ssyncset.done $0x0  }
0x142: {  	[sflag:s15] =	ssyncadd.s32 $0xFFFFC000  }
0x143: {  	v2 =	vld.msk [tilespmem:s14+$0xFFFFFFE0], $0xff;
	_ =	sdelay $0x4  }
0x144: {  	v3 =	vshll.u32 v2, $0x4  }
0x145: {  	v2 =	vand.u32 $0x7, v2;
	v3 =	vand.u32 $0xFFFFFF80, v3  }
0x146: {  	v2 =	vor.u32 v2, v3  }
0x147: {  	v2 =	vperm.xlane v2, v0;
	_ =	sdelay $0x1  }
0x148: {  	v2 =	vadd.s32 v1, v2;
	_ =	sdelay $0x4  }
0x149: {  	[tilespmem:s23], [sflag:$0x3] =	stream.indirect_vreg.gather [hbm4b:s1+s3], $0x80, v2, vm0, $0xb8;
	[tilespmem:$0x1C200] =	vst v63  }
0x14a: {  	s2 =	simm.s32 $0x8A00  }
0x14b: {  	[tilespmem:s2], [sflag:$0x3] =	stream.indirect_vreg.gather [hbm4b:s5+s3], $0x80, v2, vm0, $0xb8;
	[tilespmem:$0x1C200] =	vst v63  }
0x14c: {  	s2 =	simm.s32 $0x9200  }
0x14d: {  	[tilespmem:s2], [sflag:$0x3] =	stream.indirect_vreg.gather [hbm4b:s6+s3], $0x80, v2, vm0, $0xb8;
	[tilespmem:$0x1C200] =	vst v63  }
0x14e: {  	s2 =	simm.s32 $0x9A00  }
0x14f: {  	[tilespmem:s2], [sflag:$0x3] =	stream.indirect_vreg.gather [hbm4b:s7+s3], $0x80, v2, vm0, $0xb8;
	[tilespmem:$0x1C200] =	vst v63  }
0x150: {  	s2 =	simm.s32 $0xA200  }
0x151: {  	[tilespmem:s2], [sflag:$0x3] =	stream.indirect_vreg.gather [hbm4b:s8+s3], $0x80, v2, vm0, $0xb8;
	[tilespmem:$0x1C200] =	vst v63  }
0x152: {  	s2 =	simm.s32 $0xAA00  }
0x153: {  	[tilespmem:s2], [sflag:$0x3] =	stream.indirect_vreg.gather [hbm4b:s9+s3], $0x80, v2, vm0, $0xb8;
	[tilespmem:$0x1C200] =	vst v63  }
0x154: {  	s2 =	simm.s32 $0xB200  }
0x155: {  	[tilespmem:s2], [sflag:$0x3] =	stream.indirect_vreg.gather [hbm4b:s10+s3], $0x80, v2, vm0, $0xb8;
	[tilespmem:$0x1C200] =	vst v63  }
0x156: {  	s2 =	simm.s32 $0xBA00  }
0x157: {  	[tilespmem:s2], [sflag:$0x3] =	stream.indirect_vreg.gather [hbm4b:s11+s3], $0x80, v2, vm0, $0xb8;
	[tilespmem:$0x1C200] =	vst v63  }
0x158: {  	_ =	swait.ge [sflag:s21], $0x4000  }
0x159: {  	[sflag:s21] =	ssyncset.done $0x0  }
0x15a: {  	[sflag:s21] =	ssyncadd.s32 $0xFFFFC000  }
0x15b: {  	v2 =	vld.msk [tilespmem:s14+$0xFFFFFFE8], $0xff;
	_ =	sdelay $0x4  }
0x15c: {  	v3 =	vshll.u32 v2, $0x4  }
0x15d: {  	v2 =	vand.u32 $0x7, v2;
	v3 =	vand.u32 $0xFFFFFF80, v3  }
0x15e: {  	v2 =	vor.u32 v2, v3  }
0x15f: {  	v2 =	vperm.xlane v2, v0;
	_ =	sdelay $0x1  }
0x160: {  	v2 =	vadd.s32 v1, v2;
	_ =	sdelay $0x4  }
0x161: {  	[tilespmem:s12], [sflag:$0x4] =	stream.indirect_vreg.gather [hbm4b:s1+s3], $0x80, v2, vm0, $0xb8;
	[tilespmem:$0x1C200] =	vst v63  }
0x162: {  	s2 =	simm.s32 $0xCA00  }
0x163: {  	[tilespmem:s2], [sflag:$0x4] =	stream.indirect_vreg.gather [hbm4b:s5+s3], $0x80, v2, vm0, $0xb8;
	[tilespmem:$0x1C200] =	vst v63  }
0x164: {  	s2 =	simm.s32 $0xD200  }
0x165: {  	[tilespmem:s2], [sflag:$0x4] =	stream.indirect_vreg.gather [hbm4b:s6+s3], $0x80, v2, vm0, $0xb8;
	[tilespmem:$0x1C200] =	vst v63  }
0x166: {  	s2 =	simm.s32 $0xDA00  }
0x167: {  	[tilespmem:s2], [sflag:$0x4] =	stream.indirect_vreg.gather [hbm4b:s7+s3], $0x80, v2, vm0, $0xb8;
	[tilespmem:$0x1C200] =	vst v63  }
0x168: {  	s2 =	simm.s32 $0xE200  }
0x169: {  	[tilespmem:s2], [sflag:$0x4] =	stream.indirect_vreg.gather [hbm4b:s8+s3], $0x80, v2, vm0, $0xb8;
	[tilespmem:$0x1C200] =	vst v63  }
0x16a: {  	s2 =	simm.s32 $0xEA00  }
0x16b: {  	[tilespmem:s2], [sflag:$0x4] =	stream.indirect_vreg.gather [hbm4b:s9+s3], $0x80, v2, vm0, $0xb8;
	[tilespmem:$0x1C200] =	vst v63  }
0x16c: {  	s2 =	simm.s32 $0xF200  }
0x16d: {  	[tilespmem:s2], [sflag:$0x4] =	stream.indirect_vreg.gather [hbm4b:s10+s3], $0x80, v2, vm0, $0xb8;
	[tilespmem:$0x1C200] =	vst v63  }
0x16e: {  	s2 =	simm.s32 $0xFA00  }
0x16f: {  	[tilespmem:s2], [sflag:$0x4] =	stream.indirect_vreg.gather [hbm4b:s11+s3], $0x80, v2, vm0, $0xb8;
	[tilespmem:$0x1C200] =	vst v63  }
0x170: {  	_ =	swait.ge [sflag:s25], $0x4000  }
0x171: {  	[sflag:s25] =	ssyncset.done $0x0  }
0x172: {  	[sflag:s25] =	ssyncadd.s32 $0xFFFFC000  }
0x173: {  	v2 =	vld.msk [tilespmem:s14+$0xFFFFFFF0], $0xff;
	_ =	sdelay $0x4  }
0x174: {  	v3 =	vshll.u32 v2, $0x4  }
0x175: {  	v2 =	vand.u32 $0x7, v2;
	v3 =	vand.u32 $0xFFFFFF80, v3  }
0x176: {  	v2 =	vor.u32 v2, v3  }
0x177: {  	v2 =	vperm.xlane v2, v0;
	_ =	sdelay $0x1  }
0x178: {  	v2 =	vadd.s32 v1, v2;
	_ =	sdelay $0x4  }
0x179: {  	[tilespmem:s30], [sflag:$0x5] =	stream.indirect_vreg.gather [hbm4b:s1+s3], $0x80, v2, vm0, $0xb8;
	[tilespmem:$0x1C200] =	vst v63  }
0x17a: {  	s2 =	simm.s32 $0x10A00  }
0x17b: {  	[tilespmem:s2], [sflag:$0x5] =	stream.indirect_vreg.gather [hbm4b:s5+s3], $0x80, v2, vm0, $0xb8;
	[tilespmem:$0x1C200] =	vst v63  }
0x17c: {  	s2 =	simm.s32 $0x11200  }
0x17d: {  	[tilespmem:s2], [sflag:$0x5] =	stream.indirect_vreg.gather [hbm4b:s6+s3], $0x80, v2, vm0, $0xb8;
	[tilespmem:$0x1C200] =	vst v63  }
0x17e: {  	s2 =	simm.s32 $0x11A00  }
0x17f: {  	[tilespmem:s2], [sflag:$0x5] =	stream.indirect_vreg.gather [hbm4b:s7+s3], $0x80, v2, vm0, $0xb8;
	[tilespmem:$0x1C200] =	vst v63  }
0x180: {  	s2 =	simm.s32 $0x12200  }
0x181: {  	[tilespmem:s2], [sflag:$0x5] =	stream.indirect_vreg.gather [hbm4b:s8+s3], $0x80, v2, vm0, $0xb8;
	[tilespmem:$0x1C200] =	vst v63  }
0x182: {  	s2 =	simm.s32 $0x12A00  }
0x183: {  	[tilespmem:s2], [sflag:$0x5] =	stream.indirect_vreg.gather [hbm4b:s9+s3], $0x80, v2, vm0, $0xb8;
	[tilespmem:$0x1C200] =	vst v63  }
0x184: {  	s2 =	simm.s32 $0x13200  }
0x185: {  	[tilespmem:s2], [sflag:$0x5] =	stream.indirect_vreg.gather [hbm4b:s10+s3], $0x80, v2, vm0, $0xb8;
	[tilespmem:$0x1C200] =	vst v63  }
0x186: {  	s2 =	simm.s32 $0x13A00  }
0x187: {  	[tilespmem:s2], [sflag:$0x5] =	stream.indirect_vreg.gather [hbm4b:s11+s3], $0x80, v2, vm0, $0xb8;
	[tilespmem:$0x1C200] =	vst v63  }
0x188: {  	_ =	swait.ge [sflag:s22], $0x4000  }
0x189: {  	[sflag:s22] =	ssyncset.done $0x0  }
0x18a: {  	[sflag:s22] =	ssyncadd.s32 $0xFFFFC000  }
0x18b: {  	v2 =	vld.msk [tilespmem:s14+$0xFFFFFFF8], $0xff;
	_ =	sdelay $0x4  }
0x18c: {  	v3 =	vshll.u32 v2, $0x4  }
0x18d: {  	v2 =	vand.u32 $0x7, v2;
	v3 =	vand.u32 $0xFFFFFF80, v3  }
0x18e: {  	v2 =	vor.u32 v2, v3  }
0x18f: {  	v2 =	vperm.xlane v2, v0;
	_ =	sdelay $0x1  }
0x190: {  	v2 =	vadd.s32 v1, v2;
	_ =	sdelay $0x4  }
0x191: {  	[tilespmem:s31], [sflag:$0x6] =	stream.indirect_vreg.gather [hbm4b:s1+s3], $0x80, v2, vm0, $0xb8;
	[tilespmem:$0x1C200] =	vst v63  }
0x192: {  	s2 =	simm.s32 $0x14A00  }
0x193: {  	[tilespmem:s2], [sflag:$0x6] =	stream.indirect_vreg.gather [hbm4b:s5+s3], $0x80, v2, vm0, $0xb8;
	[tilespmem:$0x1C200] =	vst v63  }
0x194: {  	s2 =	simm.s32 $0x15200  }
0x195: {  	[tilespmem:s2], [sflag:$0x6] =	stream.indirect_vreg.gather [hbm4b:s6+s3], $0x80, v2, vm0, $0xb8;
	[tilespmem:$0x1C200] =	vst v63  }
0x196: {  	s2 =	simm.s32 $0x15A00  }
0x197: {  	[tilespmem:s2], [sflag:$0x6] =	stream.indirect_vreg.gather [hbm4b:s7+s3], $0x80, v2, vm0, $0xb8;
	[tilespmem:$0x1C200] =	vst v63  }
0x198: {  	s2 =	simm.s32 $0x16200  }
0x199: {  	[tilespmem:s2], [sflag:$0x6] =	stream.indirect_vreg.gather [hbm4b:s8+s3], $0x80, v2, vm0, $0xb8;
	[tilespmem:$0x1C200] =	vst v63  }
0x19a: {  	s2 =	simm.s32 $0x16A00  }
0x19b: {  	[tilespmem:s2], [sflag:$0x6] =	stream.indirect_vreg.gather [hbm4b:s9+s3], $0x80, v2, vm0, $0xb8;
	[tilespmem:$0x1C200] =	vst v63  }
0x19c: {  	s2 =	simm.s32 $0x17200  }
0x19d: {  	[tilespmem:s2], [sflag:$0x6] =	stream.indirect_vreg.gather [hbm4b:s10+s3], $0x80, v2, vm0, $0xb8;
	[tilespmem:$0x1C200] =	vst v63  }
0x19e: {  	s2 =	simm.s32 $0x17A00  }
0x19f: {  	[tilespmem:s2], [sflag:$0x6] =	stream.indirect_vreg.gather [hbm4b:s11+s3], $0x80, v2, vm0, $0xb8;
	[tilespmem:$0x1C200] =	vst v63  }
0x1a0: {  	_ =	swait.ge [sflag:s26], $0x4000  }
0x1a1: {  	[sflag:s26] =	ssyncset.done $0x0  }
0x1a2: {  	[sflag:s26] =	ssyncadd.s32 $0xFFFFC000  }
0x1a3: {  	v2 =	vld.msk [tilespmem:s14+$0x0], $0xff;
	_ =	sdelay $0x4  }
0x1a4: {  	v3 =	vshll.u32 v2, $0x4  }
0x1a5: {  	v2 =	vand.u32 $0x7, v2;
	v3 =	vand.u32 $0xFFFFFF80, v3  }
0x1a6: {  	v2 =	vor.u32 v2, v3  }
0x1a7: {  	v2 =	vperm.xlane v2, v0;
	_ =	sdelay $0x1  }
0x1a8: {  	v2 =	vadd.s32 v1, v2;
	_ =	sdelay $0x4  }
0x1a9: {  	[tilespmem:s16], [sflag:$0x7] =	stream.indirect_vreg.gather [hbm4b:s1+s3], $0x80, v2, vm0, $0xb8;
	[tilespmem:$0x1C200] =	vst v63  }
0x1aa: {  	s16 =	simm.s32 $0x18A00  }
0x1ab: {  	[tilespmem:s16], [sflag:$0x7] =	stream.indirect_vreg.gather [hbm4b:s5+s3], $0x80, v2, vm0, $0xb8;
	[tilespmem:$0x1C200] =	vst v63  }
0x1ac: {  	s2 =	simm.s32 $0x19200  }
0x1ad: {  	[tilespmem:s2], [sflag:$0x7] =	stream.indirect_vreg.gather [hbm4b:s6+s3], $0x80, v2, vm0, $0xb8;
	[tilespmem:$0x1C200] =	vst v63  }
0x1ae: {  	s16 =	simm.s32 $0x19A00  }
0x1af: {  	[tilespmem:s16], [sflag:$0x7] =	stream.indirect_vreg.gather [hbm4b:s7+s3], $0x80, v2, vm0, $0xb8;
	[tilespmem:$0x1C200] =	vst v63  }
0x1b0: {  	s2 =	simm.s32 $0x1A200  }
0x1b1: {  	[tilespmem:s2], [sflag:$0x7] =	stream.indirect_vreg.gather [hbm4b:s8+s3], $0x80, v2, vm0, $0xb8;
	[tilespmem:$0x1C200] =	vst v63  }
0x1b2: {  	s16 =	simm.s32 $0x1AA00  }
0x1b3: {  	[tilespmem:s16], [sflag:$0x7] =	stream.indirect_vreg.gather [hbm4b:s9+s3], $0x80, v2, vm0, $0xb8;
	[tilespmem:$0x1C200] =	vst v63  }
.Ltmp3:
0x1b4: {  	_ = 	snop;
	(pc) =	sbr.rel .LBB2_2-.Ltmp3, $4  }
0x1b5: {  	s24 =	sadd.s32 $0x3800, s24;
	s2 =	simm.s32 $0x1B200  }
0x1b6: {  	[tilespmem:s2], [sflag:$0x7] =	stream.indirect_vreg.gather [hbm4b:s10+s3], $0x80, v2, vm0, $0xb8;
	[tilespmem:$0x1C200] =	vst v63  }
0x1b7: {  	s14 =	sadd.s32 $0x38, s14;
	s16 =	simm.s32 $0x1BA00;
	s2 =	simm.s32 $0x18200  }
0x1b8: {  	[tilespmem:s16], [sflag:$0x7] =	stream.indirect_vreg.gather [hbm4b:s11+s3], $0x80, v2, vm0, $0xb8;
	[tilespmem:$0x1C200] =	vst v63  }
.LBB2_5:
0x1b9: {  	_ =	sfence.sel $0x180000  }
0x1ba: {  	[bflag:$0x0] =	sbarrier.arrive $0xFFFF  }
0x1bb: {  	_ =	strace $0x90000047  }
0x1bc: {  	s0 =	stileid.u32;
	[bflag:$0x2] =	sbarrier.arrive $0xFFFF  }
0x1bd: {  	p0 =	sne.s32 s0, $0x0;
	s0 =	rddreg [dreg:$0x3]  }
0x1be: {  	s0 =	sadd.s32 @!p0 $0x100000, s0  }
0x1bf: {  	[sflag:s0] =	ssyncadd.tile.s32 @!p0 $0x1;
	_ =	shalt  }
.Lfunc_end2:
_tile_overlayer_lowered:
.L_overlay_start_2:
0x1c0: {  	(tag) =	ssettag $0x2  }
0x1c1: {  	s0 =	rddreg [dreg:$0x0];
	s2 =	stileid.u32  }
0x1c2: {  	s1 =	rddreg [dreg:$0x1];
	p0 =	sne.s32 s2, $0x0  }
0x1c3: {  	s3 =	rddreg [dreg:$0x2];
	[bflag:$0x3] =	sbarrier.arrive $0xFFFF;
	s2 =	simm.s32 @!p0 $0x1C0F  }
0x1c4: {  	[timem:s3], [sflag:s2] =	dma.local @!p0 [hbm:s0], s1  }
0x1c5: {  	s0 =	simm.s32 @!p0 $0xF  }
0x1c6: {  	_ =	swait.ge @!p0 [sflag:s0], s1  }
0x1c7: {  	s1 =	ssub.s32 @!p0 $0x0, s1;
	[sflag:s0] =	ssyncset.done @!p0 $0x0  }
0x1c8: {  	[sflag:s0] =	ssyncadd.s32 @!p0 s1  }
0x1c9: {  	[bflag:$0x3] =	sbarrier.arrive $0xFFFF  }
0x1ca: {  	_ =	shalt  }

</sc_bundles>
